<compile_context>
chip_gen: v7x
topology: tpu7x:2x2x1
jax: 0.10.2.dev20260603
libtpu: 0.0.44.dev20260713+nightly
codegen_flags: <defaults>
</compile_context>

<pallas_src>
import functools

import jax
import jax.numpy as jnp
from jax import lax
from jax.experimental import pallas as pl
from jax.experimental.pallas import tpu as pltpu
from jax.experimental.pallas import tpu_sc as plsc

G, H, W = 10, 30, 30
D = 1024
D4 = D // 4
L = 16
NC, NS = 2, 16
H_PER_W = 10


def _sc_body(row_hbm, col_hbm, io_hbm, pair_hbm, out_hbm,
             buf0, buf1, row_v, col_v, io_v, pair_v, sem0, sem1):
    wid = lax.axis_index("s") * NC + lax.axis_index("c")

    @pl.when(wid < G * (H // H_PER_W))
    def _():
        g = wid // (H // H_PER_W)
        h0 = (wid % (H // H_PER_W)) * H_PER_W

        pltpu.sync_copy(row_hbm.at[pl.ds(h0 * D4, H_PER_W * D4)], row_v)
        pltpu.sync_copy(col_hbm.at[pl.ds(0, W * D4)], col_v)
        pltpu.sync_copy(io_hbm.at[pl.ds((g % 2) * D4, D4)], io_v)
        pltpu.sync_copy(pair_hbm.at[pl.ds((g // 2) * D4, D4)], pair_v)

        for buf in (buf0, buf1):
            def w_body(w, carry, buf=buf):
                for c in range(D4 // L):
                    off = c * L
                    buf[w, pl.ds(D4 + off, L)] = col_v[pl.ds(w * D4 + off, L)]
                    buf[w, pl.ds(2 * D4 + off, L)] = io_v[pl.ds(off, L)]
                    buf[w, pl.ds(3 * D4 + off, L)] = pair_v[pl.ds(off, L)]
                return carry
            lax.fori_loop(0, W, w_body, 0)

        bufs = (buf0, buf1)
        sems = (sem0, sem1)
        copies = []
        for i in range(H_PER_W):
            buf = bufs[i % 2]
            if i >= 2:
                copies[i - 2].wait()
            if i < 2:
                def c_body(c, inner, buf=buf, i=i):
                    v = row_v[pl.ds(i * D4 + c * L, L)]
                    def wb(w, acc, buf=buf):
                        buf[w, pl.ds(c * L, L)] = v
                        return acc
                    return lax.fori_loop(0, W, wb, inner)
                lax.fori_loop(0, D4 // L, c_body, 0)
            cp = pltpu.make_async_copy(
                buf, out_hbm.at[g * H + h0 + i], sems[i % 2])
            cp.start()
            copies.append(cp)
        copies[-2].wait()
        copies[-1].wait()


_sc_call = functools.partial(
    pl.kernel,
    out_type=jax.ShapeDtypeStruct((G * H, W, D), jnp.float32),
    mesh=plsc.VectorSubcoreMesh(core_axis_name="c", subcore_axis_name="s"),
    compiler_params=pltpu.CompilerParams(use_tc_tiling_on_sc=True),
    scratch_types=[
        pltpu.VMEM((W, D), jnp.float32),
        pltpu.VMEM((W, D), jnp.float32),
        pltpu.VMEM((H_PER_W * D4,), jnp.float32),
        pltpu.VMEM((W * D4,), jnp.float32),
        pltpu.VMEM((D4,), jnp.float32),
        pltpu.VMEM((D4,), jnp.float32),
        pltpu.SemaphoreType.DMA,
        pltpu.SemaphoreType.DMA,
    ],
)


def kernel(x, row_table, col_table, io_table, pair_table):
    out3 = _sc_call(_sc_body)(
        row_table.reshape(-1), col_table.reshape(-1),
        io_table.reshape(-1), pair_table.reshape(-1))
    return out3.reshape(G, H, W, D).astype(x.dtype)

# --- scband reference (transcript-rebuilt; emitter-appended) ---
"""Pipeline reference for scband-arcpositional-encoding-82489141887370 (READ-ONLY COPY).

The authoritative reference and input builder live on the scoring server;
editing this copy changes nothing except your own understanding.
"""

import jax, jax.numpy as jnp
import numpy as np

D_MODEL = 1024
GRID_DIM = 32
NUM_TRAIN_PAIRS = 8
D4 = D_MODEL // 4


def setup_inputs(seed: int = 0) -> dict:
    key = jax.random.key(seed)
    k_x, k_row, k_col, k_io, k_pair = jax.random.split(key, 5)
    x = jax.random.normal(k_x, (2, 10, 30, 30, D_MODEL), dtype=jnp.float32)
    row_table = jax.random.normal(k_row, (GRID_DIM, D4), dtype=jnp.float32) * 0.02
    col_table = jax.random.normal(k_col, (GRID_DIM, D4), dtype=jnp.float32) * 0.02
    io_table = jax.random.normal(k_io, (2, D4), dtype=jnp.float32) * 0.02
    pair_table = jax.random.normal(k_pair, (NUM_TRAIN_PAIRS + 1, D4), dtype=jnp.float32) * 0.02
    return {"x": x, "row_table": row_table, "col_table": col_table, "io_table": io_table, "pair_table": pair_table}


def reference(x, row_table, col_table, io_table, pair_table):
    _, num_grids, height, width, _ = x.shape
    d4 = row_table.shape[1]

    row_pos = jnp.arange(height)
    row_emb = jnp.take(row_table, row_pos, axis=0)  # [H, d4]
    row_emb = row_emb[None, :, None, :]
    row_emb = jnp.broadcast_to(row_emb, (num_grids, height, width, d4))

    col_pos = jnp.arange(width)
    col_emb = jnp.take(col_table, col_pos, axis=0)  # [W, d4]
    col_emb = col_emb[None, None, :, :]
    col_emb = jnp.broadcast_to(col_emb, (num_grids, height, width, d4))

    grid_indices = jnp.arange(num_grids)
    is_output = (grid_indices % 2 == 1).astype(jnp.int32)
    io_emb = jnp.take(io_table, is_output, axis=0)  # [G, d4]
    io_emb = io_emb[:, None, None, :]
    io_emb = jnp.broadcast_to(io_emb, (num_grids, height, width, d4))

    pair_indices = jnp.floor_divide(grid_indices, 2).astype(jnp.int32)
    pair_emb = jnp.take(pair_table, pair_indices, axis=0)  # [G, d4]
    pair_emb = pair_emb[:, None, None, :]
    pair_emb = jnp.broadcast_to(pair_emb, (num_grids, height, width, d4))

    combined_emb = jnp.concatenate([row_emb, col_emb, io_emb, pair_emb], axis=-1)
    return combined_emb

if __name__ == "__main__":
    import jax
    _d = setup_inputs()
    print(jax.jit(kernel)(*tuple(_d.values())))

</pallas_src>

<mosaic_0001>
#map = affine_map<(d0, d1) -> (0)>
#map1 = affine_map<(d0, d1) -> (0, 0, 0)>
module attributes {stable_mosaic.version = 14 : i64} {
  func.func @_sc_body(%arg0: i32, %arg1: i32, %arg2: memref<8192xf32, #tpu.memory_space<hbm>>, %arg3: memref<8192xf32, #tpu.memory_space<hbm>>, %arg4: memref<512xf32, #tpu.memory_space<hbm>>, %arg5: memref<2304xf32, #tpu.memory_space<hbm>>, %arg6: memref<300x30x1024xf32, #tpu.memory_space<hbm>>, %arg7: memref<30x1024xf32, #tpu.memory_space<vmem>>, %arg8: memref<30x1024xf32, #tpu.memory_space<vmem>>, %arg9: memref<2560xf32, #tpu.memory_space<vmem>>, %arg10: memref<7680xf32, #tpu.memory_space<vmem>>, %arg11: memref<256xf32, #tpu.memory_space<vmem>>, %arg12: memref<256xf32, #tpu.memory_space<vmem>>, %arg13: memref<!tpu.dma_semaphore, #tpu.memory_space<semaphore_mem>>, %arg14: memref<!tpu.dma_semaphore, #tpu.memory_space<semaphore_mem>>) attributes {dimension_semantics = [#tpu.dimension_semantics<core_parallel>, #tpu.dimension_semantics<subcore_parallel>], iteration_bounds = array<i64: 2, 16>, scalar_prefetch = 0 : i64, scratch_operands = 8 : i64, tpu.core_type = #tpu.core_type<sc_vector_subcore>, window_params = [{transform_indices = #map}, {transform_indices = #map}, {transform_indices = #map}, {transform_indices = #map}, {transform_indices = #map1}]} {
    %mul3A = arith.constant 2 : i32
    %mul3A_0 = arith.muli %arg1, %mul3A : i32
    %add3A = arith.addi %mul3A_0, %arg0 : i32
    %lt3A = arith.constant 30 : i32
    %lt3A_1 = arith.cmpi slt, %add3A, %lt3A : i32
    %convert_element_type3A = arith.extui %lt3A_1 : i1 to i32
    %cond3A = arith.constant 0 : i32
    %cond3A_2 = arith.cmpi ne, %convert_element_type3A, %cond3A : i32
    scf.if %cond3A_2 {
      %jit3A = arith.constant 3 : i32
      %div3A = arith.divsi %add3A, %jit3A : i32
      %sign3A = arith.constant 0 : i32
      %sign3A_3 = arith.cmpi sgt, %add3A, %sign3A : i32
      %sign3A_4 = arith.extui %sign3A_3 : i1 to i32
      %sign3A_5 = arith.constant 0 : i32
      %sign3A_6 = arith.cmpi slt, %add3A, %sign3A_5 : i32
      %sign3A_7 = arith.extui %sign3A_6 : i1 to i32
      %sign3A_8 = arith.subi %sign3A_4, %sign3A_7 : i32
      %sign3A_9 = arith.constant 0 : i32
      %sign3A_10 = arith.cmpi sgt, %jit3A, %sign3A_9 : i32
      %sign3A_11 = arith.extui %sign3A_10 : i1 to i32
      %sign3A_12 = arith.constant 0 : i32
      %sign3A_13 = arith.cmpi slt, %jit3A, %sign3A_12 : i32
      %sign3A_14 = arith.extui %sign3A_13 : i1 to i32
      %sign3A_15 = arith.subi %sign3A_11, %sign3A_14 : i32
      %ne3A = arith.cmpi ne, %sign3A_8, %sign3A_15 : i32
      %rem3A = arith.remsi %add3A, %jit3A : i32
      %ne3A_16 = arith.constant 0 : i32
      %ne3A_17 = arith.cmpi ne, %rem3A, %ne3A_16 : i32
      %and3A = arith.andi %ne3A, %ne3A_17 : i1
      %sub3A = arith.constant 1 : i32
      %sub3A_18 = arith.subi %div3A, %sub3A : i32
      %select_n3A = arith.select %and3A, %sub3A_18, %div3A : i32
      %jit3A_19 = arith.constant 3 : i32
      %eq3A = arith.constant 0 : i32
      %eq3A_20 = arith.cmpi eq, %jit3A_19, %eq3A : i32
      %jit3A_21 = arith.constant 1 : i32
      %select_n3A_22 = arith.select %eq3A_20, %jit3A_21, %jit3A_19 : i32
      %rem3A_23 = arith.remsi %add3A, %select_n3A_22 : i32
      %ne3A_24 = arith.constant 0 : i32
      %ne3A_25 = arith.cmpi ne, %rem3A_23, %ne3A_24 : i32
      %lt3A_26 = arith.constant 0 : i32
      %lt3A_27 = arith.cmpi slt, %rem3A_23, %lt3A_26 : i32
      %lt3A_28 = arith.constant 0 : i32
      %lt3A_29 = arith.cmpi slt, %select_n3A_22, %lt3A_28 : i32
      %ne3A_30 = arith.xori %lt3A_27, %lt3A_29 : i1
      %and3A_31 = arith.andi %ne3A_30, %ne3A_25 : i1
      %add3A_32 = arith.addi %rem3A_23, %select_n3A_22 : i32
      %select_n3A_33 = arith.select %and3A_31, %add3A_32, %rem3A_23 : i32
      %mul3A_34 = arith.constant 10 : i32
      %mul3A_35 = arith.muli %select_n3A_33, %mul3A_34 : i32
      %mul3A_36 = arith.constant 256 : i32
      %mul3A_37 = arith.muli %mul3A_35, %mul3A_36 : i32
      "tpu.region"() ({
        %run_scoped3A = tpu.sem_alloc : memref<!tpu.dma_semaphore, #tpu.memory_space<semaphore_mem>>
        %dma_start3A_313 = tpu.memref_slice %arg2[%mul3A_37] : memref<8192xf32, #tpu.memory_space<hbm>> -> memref<2560xf32, #tpu.memory_space<hbm>>
        %dma_start3A_314 = tpu.memref_slice %arg2[%mul3A_37] : memref<8192xf32, #tpu.memory_space<hbm>> -> memref<2560xf32, #tpu.memory_space<hbm>>
        tpu.enqueue_dma source(%dma_start3A_314 : memref<2560xf32, #tpu.memory_space<hbm>>) target(%arg9 : memref<2560xf32, #tpu.memory_space<vmem>>) target_semaphore(%run_scoped3A : memref<!tpu.dma_semaphore, #tpu.memory_space<semaphore_mem>>)
        %dma_wait3A_315 = tpu.memref_slice %arg2[%mul3A_37] : memref<8192xf32, #tpu.memory_space<hbm>> -> memref<2560xf32, #tpu.memory_space<hbm>>
        %dma_wait3A_316 = tpu.memref_slice %arg2[%mul3A_37] : memref<8192xf32, #tpu.memory_space<hbm>> -> memref<2560xf32, #tpu.memory_space<hbm>>
        tpu.wait_dma2 semaphore(%run_scoped3A : memref<!tpu.dma_semaphore, #tpu.memory_space<semaphore_mem>>) src(%dma_wait3A_316 : memref<2560xf32, #tpu.memory_space<hbm>>) dst(%arg9 : memref<2560xf32, #tpu.memory_space<vmem>>)
        tpu.yield
      }) : () -> ()
      "tpu.region"() ({
        %run_scoped3A = tpu.sem_alloc : memref<!tpu.dma_semaphore, #tpu.memory_space<semaphore_mem>>
        %dma_start3A_313 = arith.constant 0 : i32
        %dma_start3A_314 = tpu.memref_slice %arg3[%dma_start3A_313] : memref<8192xf32, #tpu.memory_space<hbm>> -> memref<7680xf32, #tpu.memory_space<hbm>>
        %dma_start3A_315 = arith.constant 0 : i32
        %dma_start3A_316 = tpu.memref_slice %arg3[%dma_start3A_315] : memref<8192xf32, #tpu.memory_space<hbm>> -> memref<7680xf32, #tpu.memory_space<hbm>>
        tpu.enqueue_dma source(%dma_start3A_316 : memref<7680xf32, #tpu.memory_space<hbm>>) target(%arg10 : memref<7680xf32, #tpu.memory_space<vmem>>) target_semaphore(%run_scoped3A : memref<!tpu.dma_semaphore, #tpu.memory_space<semaphore_mem>>)
        %dma_wait3A_317 = arith.constant 0 : i32
        %dma_wait3A_318 = tpu.memref_slice %arg3[%dma_wait3A_317] : memref<8192xf32, #tpu.memory_space<hbm>> -> memref<7680xf32, #tpu.memory_space<hbm>>
        %dma_wait3A_319 = arith.constant 0 : i32
        %dma_wait3A_320 = tpu.memref_slice %arg3[%dma_wait3A_319] : memref<8192xf32, #tpu.memory_space<hbm>> -> memref<7680xf32, #tpu.memory_space<hbm>>
        tpu.wait_dma2 semaphore(%run_scoped3A : memref<!tpu.dma_semaphore, #tpu.memory_space<semaphore_mem>>) src(%dma_wait3A_320 : memref<7680xf32, #tpu.memory_space<hbm>>) dst(%arg10 : memref<7680xf32, #tpu.memory_space<vmem>>)
        tpu.yield
      }) : () -> ()
      %jit3A_38 = arith.constant 2 : i32
      %eq3A_39 = arith.constant 0 : i32
      %eq3A_40 = arith.cmpi eq, %jit3A_38, %eq3A_39 : i32
      %jit3A_41 = arith.constant 1 : i32
      %select_n3A_42 = arith.select %eq3A_40, %jit3A_41, %jit3A_38 : i32
      %rem3A_43 = arith.remsi %select_n3A, %select_n3A_42 : i32
      %ne3A_44 = arith.constant 0 : i32
      %ne3A_45 = arith.cmpi ne, %rem3A_43, %ne3A_44 : i32
      %lt3A_46 = arith.constant 0 : i32
      %lt3A_47 = arith.cmpi slt, %rem3A_43, %lt3A_46 : i32
      %lt3A_48 = arith.constant 0 : i32
      %lt3A_49 = arith.cmpi slt, %select_n3A_42, %lt3A_48 : i32
      %ne3A_50 = arith.xori %lt3A_47, %lt3A_49 : i1
      %and3A_51 = arith.andi %ne3A_50, %ne3A_45 : i1
      %add3A_52 = arith.addi %rem3A_43, %select_n3A_42 : i32
      %select_n3A_53 = arith.select %and3A_51, %add3A_52, %rem3A_43 : i32
      %mul3A_54 = arith.constant 256 : i32
      %mul3A_55 = arith.muli %select_n3A_53, %mul3A_54 : i32
      "tpu.region"() ({
        %run_scoped3A = tpu.sem_alloc : memref<!tpu.dma_semaphore, #tpu.memory_space<semaphore_mem>>
        %dma_start3A_313 = tpu.memref_slice %arg4[%mul3A_55] : memref<512xf32, #tpu.memory_space<hbm>> -> memref<256xf32, #tpu.memory_space<hbm>>
        %dma_start3A_314 = tpu.memref_slice %arg4[%mul3A_55] : memref<512xf32, #tpu.memory_space<hbm>> -> memref<256xf32, #tpu.memory_space<hbm>>
        tpu.enqueue_dma source(%dma_start3A_314 : memref<256xf32, #tpu.memory_space<hbm>>) target(%arg11 : memref<256xf32, #tpu.memory_space<vmem>>) target_semaphore(%run_scoped3A : memref<!tpu.dma_semaphore, #tpu.memory_space<semaphore_mem>>)
        %dma_wait3A_315 = tpu.memref_slice %arg4[%mul3A_55] : memref<512xf32, #tpu.memory_space<hbm>> -> memref<256xf32, #tpu.memory_space<hbm>>
        %dma_wait3A_316 = tpu.memref_slice %arg4[%mul3A_55] : memref<512xf32, #tpu.memory_space<hbm>> -> memref<256xf32, #tpu.memory_space<hbm>>
        tpu.wait_dma2 semaphore(%run_scoped3A : memref<!tpu.dma_semaphore, #tpu.memory_space<semaphore_mem>>) src(%dma_wait3A_316 : memref<256xf32, #tpu.memory_space<hbm>>) dst(%arg11 : memref<256xf32, #tpu.memory_space<vmem>>)
        tpu.yield
      }) : () -> ()
      %jit3A_56 = arith.constant 2 : i32
      %div3A_57 = arith.divsi %select_n3A, %jit3A_56 : i32
      %sign3A_58 = arith.constant 0 : i32
      %sign3A_59 = arith.cmpi sgt, %select_n3A, %sign3A_58 : i32
      %sign3A_60 = arith.extui %sign3A_59 : i1 to i32
      %sign3A_61 = arith.constant 0 : i32
      %sign3A_62 = arith.cmpi slt, %select_n3A, %sign3A_61 : i32
      %sign3A_63 = arith.extui %sign3A_62 : i1 to i32
      %sign3A_64 = arith.subi %sign3A_60, %sign3A_63 : i32
      %sign3A_65 = arith.constant 0 : i32
      %sign3A_66 = arith.cmpi sgt, %jit3A_56, %sign3A_65 : i32
      %sign3A_67 = arith.extui %sign3A_66 : i1 to i32
      %sign3A_68 = arith.constant 0 : i32
      %sign3A_69 = arith.cmpi slt, %jit3A_56, %sign3A_68 : i32
      %sign3A_70 = arith.extui %sign3A_69 : i1 to i32
      %sign3A_71 = arith.subi %sign3A_67, %sign3A_70 : i32
      %ne3A_72 = arith.cmpi ne, %sign3A_64, %sign3A_71 : i32
      %rem3A_73 = arith.remsi %select_n3A, %jit3A_56 : i32
      %ne3A_74 = arith.constant 0 : i32
      %ne3A_75 = arith.cmpi ne, %rem3A_73, %ne3A_74 : i32
      %and3A_76 = arith.andi %ne3A_72, %ne3A_75 : i1
      %sub3A_77 = arith.constant 1 : i32
      %sub3A_78 = arith.subi %div3A_57, %sub3A_77 : i32
      %select_n3A_79 = arith.select %and3A_76, %sub3A_78, %div3A_57 : i32
      %mul3A_80 = arith.constant 256 : i32
      %mul3A_81 = arith.muli %select_n3A_79, %mul3A_80 : i32
      "tpu.region"() ({
        %run_scoped3A = tpu.sem_alloc : memref<!tpu.dma_semaphore, #tpu.memory_space<semaphore_mem>>
        %dma_start3A_313 = tpu.memref_slice %arg5[%mul3A_81] : memref<2304xf32, #tpu.memory_space<hbm>> -> memref<256xf32, #tpu.memory_space<hbm>>
        %dma_start3A_314 = tpu.memref_slice %arg5[%mul3A_81] : memref<2304xf32, #tpu.memory_space<hbm>> -> memref<256xf32, #tpu.memory_space<hbm>>
        tpu.enqueue_dma source(%dma_start3A_314 : memref<256xf32, #tpu.memory_space<hbm>>) target(%arg12 : memref<256xf32, #tpu.memory_space<vmem>>) target_semaphore(%run_scoped3A : memref<!tpu.dma_semaphore, #tpu.memory_space<semaphore_mem>>)
        %dma_wait3A_315 = tpu.memref_slice %arg5[%mul3A_81] : memref<2304xf32, #tpu.memory_space<hbm>> -> memref<256xf32, #tpu.memory_space<hbm>>
        %dma_wait3A_316 = tpu.memref_slice %arg5[%mul3A_81] : memref<2304xf32, #tpu.memory_space<hbm>> -> memref<256xf32, #tpu.memory_space<hbm>>
        tpu.wait_dma2 semaphore(%run_scoped3A : memref<!tpu.dma_semaphore, #tpu.memory_space<semaphore_mem>>) src(%dma_wait3A_316 : memref<256xf32, #tpu.memory_space<hbm>>) dst(%arg12 : memref<256xf32, #tpu.memory_space<vmem>>)
        tpu.yield
      }) : () -> ()
      %scan3A = arith.constant 0 : i32
      %scan3A_82 = arith.constant 0 : i32
      %scan3A_83 = arith.constant 30 : i32
      %scan3A_84 = arith.addi %scan3A_82, %scan3A_83 : i32
      %scan3A_85 = arith.constant 1 : i32
      scf.for %scan3A_313 = %scan3A_82 to %scan3A_84 step %scan3A_85  : i32 {
        %mul3A_314 = arith.constant 256 : i32
        %mul3A_315 = arith.muli %scan3A_313, %mul3A_314 : i32
        %add3A_316 = arith.constant 0 : i32
        %add3A_317 = arith.addi %mul3A_315, %add3A_316 : i32
        %get3A = arith.index_cast %add3A_317 : i32 to index
        %get3A_318 = tpu.vector_load %arg10[%get3A] {strides = array<i32>} : memref<7680xf32, #tpu.memory_space<vmem>>, vector<16xf32>,
        %get3A_319 = vector.shape_cast %get3A_318 : vector<16xf32> to vector<16xf32>
        %swap3A = arith.index_cast %scan3A_313 : i32 to index
        %swap3A_320 = arith.constant 256 : index
        %swap3A_321 = tpu.vector_load %arg7[%swap3A, %swap3A_320] {strides = array<i32>} : memref<30x1024xf32, #tpu.memory_space<vmem>>, vector<1x16xf32>,
        %swap3A_322 = vector.shape_cast %swap3A_321 : vector<1x16xf32> to vector<16xf32>
        %swap3A_323 = vector.shape_cast %get3A_319 : vector<16xf32> to vector<1x16xf32>
        tpu.vector_store %arg7[%swap3A, %swap3A_320], %swap3A_323 {strides = array<i32>} : memref<30x1024xf32, #tpu.memory_space<vmem>>, vector<1x16xf32>,
        %get3A_324 = arith.constant 0 : index
        %get3A_325 = tpu.vector_load %arg11[%get3A_324] {strides = array<i32>} : memref<256xf32, #tpu.memory_space<vmem>>, vector<16xf32>,
        %get3A_326 = vector.shape_cast %get3A_325 : vector<16xf32> to vector<16xf32>
        %swap3A_327 = arith.index_cast %scan3A_313 : i32 to index
        %swap3A_328 = arith.constant 512 : index
        %swap3A_329 = tpu.vector_load %arg7[%swap3A_327, %swap3A_328] {strides = array<i32>} : memref<30x1024xf32, #tpu.memory_space<vmem>>, vector<1x16xf32>,
        %swap3A_330 = vector.shape_cast %swap3A_329 : vector<1x16xf32> to vector<16xf32>
        %swap3A_331 = vector.shape_cast %get3A_326 : vector<16xf32> to vector<1x16xf32>
        tpu.vector_store %arg7[%swap3A_327, %swap3A_328], %swap3A_331 {strides = array<i32>} : memref<30x1024xf32, #tpu.memory_space<vmem>>, vector<1x16xf32>,
        %get3A_332 = arith.constant 0 : index
        %get3A_333 = tpu.vector_load %arg12[%get3A_332] {strides = array<i32>} : memref<256xf32, #tpu.memory_space<vmem>>, vector<16xf32>,
        %get3A_334 = vector.shape_cast %get3A_333 : vector<16xf32> to vector<16xf32>
        %swap3A_335 = arith.index_cast %scan3A_313 : i32 to index
        %swap3A_336 = arith.constant 768 : index
        %swap3A_337 = tpu.vector_load %arg7[%swap3A_335, %swap3A_336] {strides = array<i32>} : memref<30x1024xf32, #tpu.memory_space<vmem>>, vector<1x16xf32>,
        %swap3A_338 = vector.shape_cast %swap3A_337 : vector<1x16xf32> to vector<16xf32>
        %swap3A_339 = vector.shape_cast %get3A_334 : vector<16xf32> to vector<1x16xf32>
        tpu.vector_store %arg7[%swap3A_335, %swap3A_336], %swap3A_339 {strides = array<i32>} : memref<30x1024xf32, #tpu.memory_space<vmem>>, vector<1x16xf32>,
        %mul3A_340 = arith.constant 256 : i32
        %mul3A_341 = arith.muli %scan3A_313, %mul3A_340 : i32
        %add3A_342 = arith.constant 16 : i32
        %add3A_343 = arith.addi %mul3A_341, %add3A_342 : i32
        %get3A_344 = arith.index_cast %add3A_343 : i32 to index
        %get3A_345 = tpu.vector_load %arg10[%get3A_344] {strides = array<i32>} : memref<7680xf32, #tpu.memory_space<vmem>>, vector<16xf32>,
        %get3A_346 = vector.shape_cast %get3A_345 : vector<16xf32> to vector<16xf32>
        %swap3A_347 = arith.index_cast %scan3A_313 : i32 to index
        %swap3A_348 = arith.constant 272 : index
        %swap3A_349 = tpu.vector_load %arg7[%swap3A_347, %swap3A_348] {strides = array<i32>} : memref<30x1024xf32, #tpu.memory_space<vmem>>, vector<1x16xf32>,
        %swap3A_350 = vector.shape_cast %swap3A_349 : vector<1x16xf32> to vector<16xf32>
        %swap3A_351 = vector.shape_cast %get3A_346 : vector<16xf32> to vector<1x16xf32>
        tpu.vector_store %arg7[%swap3A_347, %swap3A_348], %swap3A_351 {strides = array<i32>} : memref<30x1024xf32, #tpu.memory_space<vmem>>, vector<1x16xf32>,
        %get3A_352 = arith.constant 16 : index
        %get3A_353 = tpu.vector_load %arg11[%get3A_352] {strides = array<i32>} : memref<256xf32, #tpu.memory_space<vmem>>, vector<16xf32>,
        %get3A_354 = vector.shape_cast %get3A_353 : vector<16xf32> to vector<16xf32>
        %swap3A_355 = arith.index_cast %scan3A_313 : i32 to index
        %swap3A_356 = arith.constant 528 : index
        %swap3A_357 = tpu.vector_load %arg7[%swap3A_355, %swap3A_356] {strides = array<i32>} : memref<30x1024xf32, #tpu.memory_space<vmem>>, vector<1x16xf32>,
        %swap3A_358 = vector.shape_cast %swap3A_357 : vector<1x16xf32> to vector<16xf32>
        %swap3A_359 = vector.shape_cast %get3A_354 : vector<16xf32> to vector<1x16xf32>
        tpu.vector_store %arg7[%swap3A_355, %swap3A_356], %swap3A_359 {strides = array<i32>} : memref<30x1024xf32, #tpu.memory_space<vmem>>, vector<1x16xf32>,
        %get3A_360 = arith.constant 16 : index
        %get3A_361 = tpu.vector_load %arg12[%get3A_360] {strides = array<i32>} : memref<256xf32, #tpu.memory_space<vmem>>, vector<16xf32>,
        %get3A_362 = vector.shape_cast %get3A_361 : vector<16xf32> to vector<16xf32>
        %swap3A_363 = arith.index_cast %scan3A_313 : i32 to index
        %swap3A_364 = arith.constant 784 : index
        %swap3A_365 = tpu.vector_load %arg7[%swap3A_363, %swap3A_364] {strides = array<i32>} : memref<30x1024xf32, #tpu.memory_space<vmem>>, vector<1x16xf32>,
        %swap3A_366 = vector.shape_cast %swap3A_365 : vector<1x16xf32> to vector<16xf32>
        %swap3A_367 = vector.shape_cast %get3A_362 : vector<16xf32> to vector<1x16xf32>
        tpu.vector_store %arg7[%swap3A_363, %swap3A_364], %swap3A_367 {strides = array<i32>} : memref<30x1024xf32, #tpu.memory_space<vmem>>, vector<1x16xf32>,
        %mul3A_368 = arith.constant 256 : i32
        %mul3A_369 = arith.muli %scan3A_313, %mul3A_368 : i32
        %add3A_370 = arith.constant 32 : i32
        %add3A_371 = arith.addi %mul3A_369, %add3A_370 : i32
        %get3A_372 = arith.index_cast %add3A_371 : i32 to index
        %get3A_373 = tpu.vector_load %arg10[%get3A_372] {strides = array<i32>} : memref<7680xf32, #tpu.memory_space<vmem>>, vector<16xf32>,
        %get3A_374 = vector.shape_cast %get3A_373 : vector<16xf32> to vector<16xf32>
        %swap3A_375 = arith.index_cast %scan3A_313 : i32 to index
        %swap3A_376 = arith.constant 288 : index
        %swap3A_377 = tpu.vector_load %arg7[%swap3A_375, %swap3A_376] {strides = array<i32>} : memref<30x1024xf32, #tpu.memory_space<vmem>>, vector<1x16xf32>,
        %swap3A_378 = vector.shape_cast %swap3A_377 : vector<1x16xf32> to vector<16xf32>
        %swap3A_379 = vector.shape_cast %get3A_374 : vector<16xf32> to vector<1x16xf32>
        tpu.vector_store %arg7[%swap3A_375, %swap3A_376], %swap3A_379 {strides = array<i32>} : memref<30x1024xf32, #tpu.memory_space<vmem>>, vector<1x16xf32>,
        %get3A_380 = arith.constant 32 : index
        %get3A_381 = tpu.vector_load %arg11[%get3A_380] {strides = array<i32>} : memref<256xf32, #tpu.memory_space<vmem>>, vector<16xf32>,
        %get3A_382 = vector.shape_cast %get3A_381 : vector<16xf32> to vector<16xf32>
        %swap3A_383 = arith.index_cast %scan3A_313 : i32 to index
        %swap3A_384 = arith.constant 544 : index
        %swap3A_385 = tpu.vector_load %arg7[%swap3A_383, %swap3A_384] {strides = array<i32>} : memref<30x1024xf32, #tpu.memory_space<vmem>>, vector<1x16xf32>,
        %swap3A_386 = vector.shape_cast %swap3A_385 : vector<1x16xf32> to vector<16xf32>
        %swap3A_387 = vector.shape_cast %get3A_382 : vector<16xf32> to vector<1x16xf32>
        tpu.vector_store %arg7[%swap3A_383, %swap3A_384], %swap3A_387 {strides = array<i32>} : memref<30x1024xf32, #tpu.memory_space<vmem>>, vector<1x16xf32>,
        %get3A_388 = arith.constant 32 : index
        %get3A_389 = tpu.vector_load %arg12[%get3A_388] {strides = array<i32>} : memref<256xf32, #tpu.memory_space<vmem>>, vector<16xf32>,
        %get3A_390 = vector.shape_cast %get3A_389 : vector<16xf32> to vector<16xf32>
        %swap3A_391 = arith.index_cast %scan3A_313 : i32 to index
        %swap3A_392 = arith.constant 800 : index
        %swap3A_393 = tpu.vector_load %arg7[%swap3A_391, %swap3A_392] {strides = array<i32>} : memref<30x1024xf32, #tpu.memory_space<vmem>>, vector<1x16xf32>,
        %swap3A_394 = vector.shape_cast %swap3A_393 : vector<1x16xf32> to vector<16xf32>
        %swap3A_395 = vector.shape_cast %get3A_390 : vector<16xf32> to vector<1x16xf32>
        tpu.vector_store %arg7[%swap3A_391, %swap3A_392], %swap3A_395 {strides = array<i32>} : memref<30x1024xf32, #tpu.memory_space<vmem>>, vector<1x16xf32>,
        %mul3A_396 = arith.constant 256 : i32
        %mul3A_397 = arith.muli %scan3A_313, %mul3A_396 : i32
        %add3A_398 = arith.constant 48 : i32
        %add3A_399 = arith.addi %mul3A_397, %add3A_398 : i32
        %get3A_400 = arith.index_cast %add3A_399 : i32 to index
        %get3A_401 = tpu.vector_load %arg10[%get3A_400] {strides = array<i32>} : memref<7680xf32, #tpu.memory_space<vmem>>, vector<16xf32>,
        %get3A_402 = vector.shape_cast %get3A_401 : vector<16xf32> to vector<16xf32>
        %swap3A_403 = arith.index_cast %scan3A_313 : i32 to index
        %swap3A_404 = arith.constant 304 : index
        %swap3A_405 = tpu.vector_load %arg7[%swap3A_403, %swap3A_404] {strides = array<i32>} : memref<30x1024xf32, #tpu.memory_space<vmem>>, vector<1x16xf32>,
        %swap3A_406 = vector.shape_cast %swap3A_405 : vector<1x16xf32> to vector<16xf32>
        %swap3A_407 = vector.shape_cast %get3A_402 : vector<16xf32> to vector<1x16xf32>
        tpu.vector_store %arg7[%swap3A_403, %swap3A_404], %swap3A_407 {strides = array<i32>} : memref<30x1024xf32, #tpu.memory_space<vmem>>, vector<1x16xf32>,
        %get3A_408 = arith.constant 48 : index
        %get3A_409 = tpu.vector_load %arg11[%get3A_408] {strides = array<i32>} : memref<256xf32, #tpu.memory_space<vmem>>, vector<16xf32>,
        %get3A_410 = vector.shape_cast %get3A_409 : vector<16xf32> to vector<16xf32>
        %swap3A_411 = arith.index_cast %scan3A_313 : i32 to index
        %swap3A_412 = arith.constant 560 : index
        %swap3A_413 = tpu.vector_load %arg7[%swap3A_411, %swap3A_412] {strides = array<i32>} : memref<30x1024xf32, #tpu.memory_space<vmem>>, vector<1x16xf32>,
        %swap3A_414 = vector.shape_cast %swap3A_413 : vector<1x16xf32> to vector<16xf32>
        %swap3A_415 = vector.shape_cast %get3A_410 : vector<16xf32> to vector<1x16xf32>
        tpu.vector_store %arg7[%swap3A_411, %swap3A_412], %swap3A_415 {strides = array<i32>} : memref<30x1024xf32, #tpu.memory_space<vmem>>, vector<1x16xf32>,
        %get3A_416 = arith.constant 48 : index
        %get3A_417 = tpu.vector_load %arg12[%get3A_416] {strides = array<i32>} : memref<256xf32, #tpu.memory_space<vmem>>, vector<16xf32>,
        %get3A_418 = vector.shape_cast %get3A_417 : vector<16xf32> to vector<16xf32>
        %swap3A_419 = arith.index_cast %scan3A_313 : i32 to index
        %swap3A_420 = arith.constant 816 : index
        %swap3A_421 = tpu.vector_load %arg7[%swap3A_419, %swap3A_420] {strides = array<i32>} : memref<30x1024xf32, #tpu.memory_space<vmem>>, vector<1x16xf32>,
        %swap3A_422 = vector.shape_cast %swap3A_421 : vector<1x16xf32> to vector<16xf32>
        %swap3A_423 = vector.shape_cast %get3A_418 : vector<16xf32> to vector<1x16xf32>
        tpu.vector_store %arg7[%swap3A_419, %swap3A_420], %swap3A_423 {strides = array<i32>} : memref<30x1024xf32, #tpu.memory_space<vmem>>, vector<1x16xf32>,
        %mul3A_424 = arith.constant 256 : i32
        %mul3A_425 = arith.muli %scan3A_313, %mul3A_424 : i32
        %add3A_426 = arith.constant 64 : i32
        %add3A_427 = arith.addi %mul3A_425, %add3A_426 : i32
        %get3A_428 = arith.index_cast %add3A_427 : i32 to index
        %get3A_429 = tpu.vector_load %arg10[%get3A_428] {strides = array<i32>} : memref<7680xf32, #tpu.memory_space<vmem>>, vector<16xf32>,
        %get3A_430 = vector.shape_cast %get3A_429 : vector<16xf32> to vector<16xf32>
        %swap3A_431 = arith.index_cast %scan3A_313 : i32 to index
        %swap3A_432 = arith.constant 320 : index
        %swap3A_433 = tpu.vector_load %arg7[%swap3A_431, %swap3A_432] {strides = array<i32>} : memref<30x1024xf32, #tpu.memory_space<vmem>>, vector<1x16xf32>,
        %swap3A_434 = vector.shape_cast %swap3A_433 : vector<1x16xf32> to vector<16xf32>
        %swap3A_435 = vector.shape_cast %get3A_430 : vector<16xf32> to vector<1x16xf32>
        tpu.vector_store %arg7[%swap3A_431, %swap3A_432], %swap3A_435 {strides = array<i32>} : memref<30x1024xf32, #tpu.memory_space<vmem>>, vector<1x16xf32>,
        %get3A_436 = arith.constant 64 : index
        %get3A_437 = tpu.vector_load %arg11[%get3A_436] {strides = array<i32>} : memref<256xf32, #tpu.memory_space<vmem>>, vector<16xf32>,
        %get3A_438 = vector.shape_cast %get3A_437 : vector<16xf32> to vector<16xf32>
        %swap3A_439 = arith.index_cast %scan3A_313 : i32 to index
        %swap3A_440 = arith.constant 576 : index
        %swap3A_441 = tpu.vector_load %arg7[%swap3A_439, %swap3A_440] {strides = array<i32>} : memref<30x1024xf32, #tpu.memory_space<vmem>>, vector<1x16xf32>,
        %swap3A_442 = vector.shape_cast %swap3A_441 : vector<1x16xf32> to vector<16xf32>
        %swap3A_443 = vector.shape_cast %get3A_438 : vector<16xf32> to vector<1x16xf32>
        tpu.vector_store %arg7[%swap3A_439, %swap3A_440], %swap3A_443 {strides = array<i32>} : memref<30x1024xf32, #tpu.memory_space<vmem>>, vector<1x16xf32>,
        %get3A_444 = arith.constant 64 : index
        %get3A_445 = tpu.vector_load %arg12[%get3A_444] {strides = array<i32>} : memref<256xf32, #tpu.memory_space<vmem>>, vector<16xf32>,
        %get3A_446 = vector.shape_cast %get3A_445 : vector<16xf32> to vector<16xf32>
        %swap3A_447 = arith.index_cast %scan3A_313 : i32 to index
        %swap3A_448 = arith.constant 832 : index
        %swap3A_449 = tpu.vector_load %arg7[%swap3A_447, %swap3A_448] {strides = array<i32>} : memref<30x1024xf32, #tpu.memory_space<vmem>>, vector<1x16xf32>,
        %swap3A_450 = vector.shape_cast %swap3A_449 : vector<1x16xf32> to vector<16xf32>
        %swap3A_451 = vector.shape_cast %get3A_446 : vector<16xf32> to vector<1x16xf32>
        tpu.vector_store %arg7[%swap3A_447, %swap3A_448], %swap3A_451 {strides = array<i32>} : memref<30x1024xf32, #tpu.memory_space<vmem>>, vector<1x16xf32>,
        %mul3A_452 = arith.constant 256 : i32
        %mul3A_453 = arith.muli %scan3A_313, %mul3A_452 : i32
        %add3A_454 = arith.constant 80 : i32
        %add3A_455 = arith.addi %mul3A_453, %add3A_454 : i32
        %get3A_456 = arith.index_cast %add3A_455 : i32 to index
        %get3A_457 = tpu.vector_load %arg10[%get3A_456] {strides = array<i32>} : memref<7680xf32, #tpu.memory_space<vmem>>, vector<16xf32>,
        %get3A_458 = vector.shape_cast %get3A_457 : vector<16xf32> to vector<16xf32>
        %swap3A_459 = arith.index_cast %scan3A_313 : i32 to index
        %swap3A_460 = arith.constant 336 : index
        %swap3A_461 = tpu.vector_load %arg7[%swap3A_459, %swap3A_460] {strides = array<i32>} : memref<30x1024xf32, #tpu.memory_space<vmem>>, vector<1x16xf32>,
        %swap3A_462 = vector.shape_cast %swap3A_461 : vector<1x16xf32> to vector<16xf32>
        %swap3A_463 = vector.shape_cast %get3A_458 : vector<16xf32> to vector<1x16xf32>
        tpu.vector_store %arg7[%swap3A_459, %swap3A_460], %swap3A_463 {strides = array<i32>} : memref<30x1024xf32, #tpu.memory_space<vmem>>, vector<1x16xf32>,
        %get3A_464 = arith.constant 80 : index
        %get3A_465 = tpu.vector_load %arg11[%get3A_464] {strides = array<i32>} : memref<256xf32, #tpu.memory_space<vmem>>, vector<16xf32>,
        %get3A_466 = vector.shape_cast %get3A_465 : vector<16xf32> to vector<16xf32>
        %swap3A_467 = arith.index_cast %scan3A_313 : i32 to index
        %swap3A_468 = arith.constant 592 : index
        %swap3A_469 = tpu.vector_load %arg7[%swap3A_467, %swap3A_468] {strides = array<i32>} : memref<30x1024xf32, #tpu.memory_space<vmem>>, vector<1x16xf32>,
        %swap3A_470 = vector.shape_cast %swap3A_469 : vector<1x16xf32> to vector<16xf32>
        %swap3A_471 = vector.shape_cast %get3A_466 : vector<16xf32> to vector<1x16xf32>
        tpu.vector_store %arg7[%swap3A_467, %swap3A_468], %swap3A_471 {strides = array<i32>} : memref<30x1024xf32, #tpu.memory_space<vmem>>, vector<1x16xf32>,
        %get3A_472 = arith.constant 80 : index
        %get3A_473 = tpu.vector_load %arg12[%get3A_472] {strides = array<i32>} : memref<256xf32, #tpu.memory_space<vmem>>, vector<16xf32>,
        %get3A_474 = vector.shape_cast %get3A_473 : vector<16xf32> to vector<16xf32>
        %swap3A_475 = arith.index_cast %scan3A_313 : i32 to index
        %swap3A_476 = arith.constant 848 : index
        %swap3A_477 = tpu.vector_load %arg7[%swap3A_475, %swap3A_476] {strides = array<i32>} : memref<30x1024xf32, #tpu.memory_space<vmem>>, vector<1x16xf32>,
        %swap3A_478 = vector.shape_cast %swap3A_477 : vector<1x16xf32> to vector<16xf32>
        %swap3A_479 = vector.shape_cast %get3A_474 : vector<16xf32> to vector<1x16xf32>
        tpu.vector_store %arg7[%swap3A_475, %swap3A_476], %swap3A_479 {strides = array<i32>} : memref<30x1024xf32, #tpu.memory_space<vmem>>, vector<1x16xf32>,
        %mul3A_480 = arith.constant 256 : i32
        %mul3A_481 = arith.muli %scan3A_313, %mul3A_480 : i32
        %add3A_482 = arith.constant 96 : i32
        %add3A_483 = arith.addi %mul3A_481, %add3A_482 : i32
        %get3A_484 = arith.index_cast %add3A_483 : i32 to index
        %get3A_485 = tpu.vector_load %arg10[%get3A_484] {strides = array<i32>} : memref<7680xf32, #tpu.memory_space<vmem>>, vector<16xf32>,
        %get3A_486 = vector.shape_cast %get3A_485 : vector<16xf32> to vector<16xf32>
        %swap3A_487 = arith.index_cast %scan3A_313 : i32 to index
        %swap3A_488 = arith.constant 352 : index
        %swap3A_489 = tpu.vector_load %arg7[%swap3A_487, %swap3A_488] {strides = array<i32>} : memref<30x1024xf32, #tpu.memory_space<vmem>>, vector<1x16xf32>,
        %swap3A_490 = vector.shape_cast %swap3A_489 : vector<1x16xf32> to vector<16xf32>
        %swap3A_491 = vector.shape_cast %get3A_486 : vector<16xf32> to vector<1x16xf32>
        tpu.vector_store %arg7[%swap3A_487, %swap3A_488], %swap3A_491 {strides = array<i32>} : memref<30x1024xf32, #tpu.memory_space<vmem>>, vector<1x16xf32>,
        %get3A_492 = arith.constant 96 : index
        %get3A_493 = tpu.vector_load %arg11[%get3A_492] {strides = array<i32>} : memref<256xf32, #tpu.memory_space<vmem>>, vector<16xf32>,
        %get3A_494 = vector.shape_cast %get3A_493 : vector<16xf32> to vector<16xf32>
        %swap3A_495 = arith.index_cast %scan3A_313 : i32 to index
        %swap3A_496 = arith.constant 608 : index
        %swap3A_497 = tpu.vector_load %arg7[%swap3A_495, %swap3A_496] {strides = array<i32>} : memref<30x1024xf32, #tpu.memory_space<vmem>>, vector<1x16xf32>,
        %swap3A_498 = vector.shape_cast %swap3A_497 : vector<1x16xf32> to vector<16xf32>
        %swap3A_499 = vector.shape_cast %get3A_494 : vector<16xf32> to vector<1x16xf32>
        tpu.vector_store %arg7[%swap3A_495, %swap3A_496], %swap3A_499 {strides = array<i32>} : memref<30x1024xf32, #tpu.memory_space<vmem>>, vector<1x16xf32>,
        %get3A_500 = arith.constant 96 : index
        %get3A_501 = tpu.vector_load %arg12[%get3A_500] {strides = array<i32>} : memref<256xf32, #tpu.memory_space<vmem>>, vector<16xf32>,
        %get3A_502 = vector.shape_cast %get3A_501 : vector<16xf32> to vector<16xf32>
        %swap3A_503 = arith.index_cast %scan3A_313 : i32 to index
        %swap3A_504 = arith.constant 864 : index
        %swap3A_505 = tpu.vector_load %arg7[%swap3A_503, %swap3A_504] {strides = array<i32>} : memref<30x1024xf32, #tpu.memory_space<vmem>>, vector<1x16xf32>,
        %swap3A_506 = vector.shape_cast %swap3A_505 : vector<1x16xf32> to vector<16xf32>
        %swap3A_507 = vector.shape_cast %get3A_502 : vector<16xf32> to vector<1x16xf32>
        tpu.vector_store %arg7[%swap3A_503, %swap3A_504], %swap3A_507 {strides = array<i32>} : memref<30x1024xf32, #tpu.memory_space<vmem>>, vector<1x16xf32>,
        %mul3A_508 = arith.constant 256 : i32
        %mul3A_509 = arith.muli %scan3A_313, %mul3A_508 : i32
        %add3A_510 = arith.constant 112 : i32
        %add3A_511 = arith.addi %mul3A_509, %add3A_510 : i32
        %get3A_512 = arith.index_cast %add3A_511 : i32 to index
        %get3A_513 = tpu.vector_load %arg10[%get3A_512] {strides = array<i32>} : memref<7680xf32, #tpu.memory_space<vmem>>, vector<16xf32>,
        %get3A_514 = vector.shape_cast %get3A_513 : vector<16xf32> to vector<16xf32>
        %swap3A_515 = arith.index_cast %scan3A_313 : i32 to index
        %swap3A_516 = arith.constant 368 : index
        %swap3A_517 = tpu.vector_load %arg7[%swap3A_515, %swap3A_516] {strides = array<i32>} : memref<30x1024xf32, #tpu.memory_space<vmem>>, vector<1x16xf32>,
        %swap3A_518 = vector.shape_cast %swap3A_517 : vector<1x16xf32> to vector<16xf32>
        %swap3A_519 = vector.shape_cast %get3A_514 : vector<16xf32> to vector<1x16xf32>
        tpu.vector_store %arg7[%swap3A_515, %swap3A_516], %swap3A_519 {strides = array<i32>} : memref<30x1024xf32, #tpu.memory_space<vmem>>, vector<1x16xf32>,
        %get3A_520 = arith.constant 112 : index
        %get3A_521 = tpu.vector_load %arg11[%get3A_520] {strides = array<i32>} : memref<256xf32, #tpu.memory_space<vmem>>, vector<16xf32>,
        %get3A_522 = vector.shape_cast %get3A_521 : vector<16xf32> to vector<16xf32>
        %swap3A_523 = arith.index_cast %scan3A_313 : i32 to index
        %swap3A_524 = arith.constant 624 : index
        %swap3A_525 = tpu.vector_load %arg7[%swap3A_523, %swap3A_524] {strides = array<i32>} : memref<30x1024xf32, #tpu.memory_space<vmem>>, vector<1x16xf32>,
        %swap3A_526 = vector.shape_cast %swap3A_525 : vector<1x16xf32> to vector<16xf32>
        %swap3A_527 = vector.shape_cast %get3A_522 : vector<16xf32> to vector<1x16xf32>
        tpu.vector_store %arg7[%swap3A_523, %swap3A_524], %swap3A_527 {strides = array<i32>} : memref<30x1024xf32, #tpu.memory_space<vmem>>, vector<1x16xf32>,
        %get3A_528 = arith.constant 112 : index
        %get3A_529 = tpu.vector_load %arg12[%get3A_528] {strides = array<i32>} : memref<256xf32, #tpu.memory_space<vmem>>, vector<16xf32>,
        %get3A_530 = vector.shape_cast %get3A_529 : vector<16xf32> to vector<16xf32>
        %swap3A_531 = arith.index_cast %scan3A_313 : i32 to index
        %swap3A_532 = arith.constant 880 : index
        %swap3A_533 = tpu.vector_load %arg7[%swap3A_531, %swap3A_532] {strides = array<i32>} : memref<30x1024xf32, #tpu.memory_space<vmem>>, vector<1x16xf32>,
        %swap3A_534 = vector.shape_cast %swap3A_533 : vector<1x16xf32> to vector<16xf32>
        %swap3A_535 = vector.shape_cast %get3A_530 : vector<16xf32> to vector<1x16xf32>
        tpu.vector_store %arg7[%swap3A_531, %swap3A_532], %swap3A_535 {strides = array<i32>} : memref<30x1024xf32, #tpu.memory_space<vmem>>, vector<1x16xf32>,
        %mul3A_536 = arith.constant 256 : i32
        %mul3A_537 = arith.muli %scan3A_313, %mul3A_536 : i32
        %add3A_538 = arith.constant 128 : i32
        %add3A_539 = arith.addi %mul3A_537, %add3A_538 : i32
        %get3A_540 = arith.index_cast %add3A_539 : i32 to index
        %get3A_541 = tpu.vector_load %arg10[%get3A_540] {strides = array<i32>} : memref<7680xf32, #tpu.memory_space<vmem>>, vector<16xf32>,
        %get3A_542 = vector.shape_cast %get3A_541 : vector<16xf32> to vector<16xf32>
        %swap3A_543 = arith.index_cast %scan3A_313 : i32 to index
        %swap3A_544 = arith.constant 384 : index
        %swap3A_545 = tpu.vector_load %arg7[%swap3A_543, %swap3A_544] {strides = array<i32>} : memref<30x1024xf32, #tpu.memory_space<vmem>>, vector<1x16xf32>,
        %swap3A_546 = vector.shape_cast %swap3A_545 : vector<1x16xf32> to vector<16xf32>
        %swap3A_547 = vector.shape_cast %get3A_542 : vector<16xf32> to vector<1x16xf32>
        tpu.vector_store %arg7[%swap3A_543, %swap3A_544], %swap3A_547 {strides = array<i32>} : memref<30x1024xf32, #tpu.memory_space<vmem>>, vector<1x16xf32>,
        %get3A_548 = arith.constant 128 : index
        %get3A_549 = tpu.vector_load %arg11[%get3A_548] {strides = array<i32>} : memref<256xf32, #tpu.memory_space<vmem>>, vector<16xf32>,
        %get3A_550 = vector.shape_cast %get3A_549 : vector<16xf32> to vector<16xf32>
        %swap3A_551 = arith.index_cast %scan3A_313 : i32 to index
        %swap3A_552 = arith.constant 640 : index
        %swap3A_553 = tpu.vector_load %arg7[%swap3A_551, %swap3A_552] {strides = array<i32>} : memref<30x1024xf32, #tpu.memory_space<vmem>>, vector<1x16xf32>,
        %swap3A_554 = vector.shape_cast %swap3A_553 : vector<1x16xf32> to vector<16xf32>
        %swap3A_555 = vector.shape_cast %get3A_550 : vector<16xf32> to vector<1x16xf32>
        tpu.vector_store %arg7[%swap3A_551, %swap3A_552], %swap3A_555 {strides = array<i32>} : memref<30x1024xf32, #tpu.memory_space<vmem>>, vector<1x16xf32>,
        %get3A_556 = arith.constant 128 : index
        %get3A_557 = tpu.vector_load %arg12[%get3A_556] {strides = array<i32>} : memref<256xf32, #tpu.memory_space<vmem>>, vector<16xf32>,
        %get3A_558 = vector.shape_cast %get3A_557 : vector<16xf32> to vector<16xf32>
        %swap3A_559 = arith.index_cast %scan3A_313 : i32 to index
        %swap3A_560 = arith.constant 896 : index
        %swap3A_561 = tpu.vector_load %arg7[%swap3A_559, %swap3A_560] {strides = array<i32>} : memref<30x1024xf32, #tpu.memory_space<vmem>>, vector<1x16xf32>,
        %swap3A_562 = vector.shape_cast %swap3A_561 : vector<1x16xf32> to vector<16xf32>
        %swap3A_563 = vector.shape_cast %get3A_558 : vector<16xf32> to vector<1x16xf32>
        tpu.vector_store %arg7[%swap3A_559, %swap3A_560], %swap3A_563 {strides = array<i32>} : memref<30x1024xf32, #tpu.memory_space<vmem>>, vector<1x16xf32>,
        %mul3A_564 = arith.constant 256 : i32
        %mul3A_565 = arith.muli %scan3A_313, %mul3A_564 : i32
        %add3A_566 = arith.constant 144 : i32
        %add3A_567 = arith.addi %mul3A_565, %add3A_566 : i32
        %get3A_568 = arith.index_cast %add3A_567 : i32 to index
        %get3A_569 = tpu.vector_load %arg10[%get3A_568] {strides = array<i32>} : memref<7680xf32, #tpu.memory_space<vmem>>, vector<16xf32>,
        %get3A_570 = vector.shape_cast %get3A_569 : vector<16xf32> to vector<16xf32>
        %swap3A_571 = arith.index_cast %scan3A_313 : i32 to index
        %swap3A_572 = arith.constant 400 : index
        %swap3A_573 = tpu.vector_load %arg7[%swap3A_571, %swap3A_572] {strides = array<i32>} : memref<30x1024xf32, #tpu.memory_space<vmem>>, vector<1x16xf32>,
        %swap3A_574 = vector.shape_cast %swap3A_573 : vector<1x16xf32> to vector<16xf32>
        %swap3A_575 = vector.shape_cast %get3A_570 : vector<16xf32> to vector<1x16xf32>
        tpu.vector_store %arg7[%swap3A_571, %swap3A_572], %swap3A_575 {strides = array<i32>} : memref<30x1024xf32, #tpu.memory_space<vmem>>, vector<1x16xf32>,
        %get3A_576 = arith.constant 144 : index
        %get3A_577 = tpu.vector_load %arg11[%get3A_576] {strides = array<i32>} : memref<256xf32, #tpu.memory_space<vmem>>, vector<16xf32>,
        %get3A_578 = vector.shape_cast %get3A_577 : vector<16xf32> to vector<16xf32>
        %swap3A_579 = arith.index_cast %scan3A_313 : i32 to index
        %swap3A_580 = arith.constant 656 : index
        %swap3A_581 = tpu.vector_load %arg7[%swap3A_579, %swap3A_580] {strides = array<i32>} : memref<30x1024xf32, #tpu.memory_space<vmem>>, vector<1x16xf32>,
        %swap3A_582 = vector.shape_cast %swap3A_581 : vector<1x16xf32> to vector<16xf32>
        %swap3A_583 = vector.shape_cast %get3A_578 : vector<16xf32> to vector<1x16xf32>
        tpu.vector_store %arg7[%swap3A_579, %swap3A_580], %swap3A_583 {strides = array<i32>} : memref<30x1024xf32, #tpu.memory_space<vmem>>, vector<1x16xf32>,
        %get3A_584 = arith.constant 144 : index
        %get3A_585 = tpu.vector_load %arg12[%get3A_584] {strides = array<i32>} : memref<256xf32, #tpu.memory_space<vmem>>, vector<16xf32>,
        %get3A_586 = vector.shape_cast %get3A_585 : vector<16xf32> to vector<16xf32>
        %swap3A_587 = arith.index_cast %scan3A_313 : i32 to index
        %swap3A_588 = arith.constant 912 : index
        %swap3A_589 = tpu.vector_load %arg7[%swap3A_587, %swap3A_588] {strides = array<i32>} : memref<30x1024xf32, #tpu.memory_space<vmem>>, vector<1x16xf32>,
        %swap3A_590 = vector.shape_cast %swap3A_589 : vector<1x16xf32> to vector<16xf32>
        %swap3A_591 = vector.shape_cast %get3A_586 : vector<16xf32> to vector<1x16xf32>
        tpu.vector_store %arg7[%swap3A_587, %swap3A_588], %swap3A_591 {strides = array<i32>} : memref<30x1024xf32, #tpu.memory_space<vmem>>, vector<1x16xf32>,
        %mul3A_592 = arith.constant 256 : i32
        %mul3A_593 = arith.muli %scan3A_313, %mul3A_592 : i32
        %add3A_594 = arith.constant 160 : i32
        %add3A_595 = arith.addi %mul3A_593, %add3A_594 : i32
        %get3A_596 = arith.index_cast %add3A_595 : i32 to index
        %get3A_597 = tpu.vector_load %arg10[%get3A_596] {strides = array<i32>} : memref<7680xf32, #tpu.memory_space<vmem>>, vector<16xf32>,
        %get3A_598 = vector.shape_cast %get3A_597 : vector<16xf32> to vector<16xf32>
        %swap3A_599 = arith.index_cast %scan3A_313 : i32 to index
        %swap3A_600 = arith.constant 416 : index
        %swap3A_601 = tpu.vector_load %arg7[%swap3A_599, %swap3A_600] {strides = array<i32>} : memref<30x1024xf32, #tpu.memory_space<vmem>>, vector<1x16xf32>,
        %swap3A_602 = vector.shape_cast %swap3A_601 : vector<1x16xf32> to vector<16xf32>
        %swap3A_603 = vector.shape_cast %get3A_598 : vector<16xf32> to vector<1x16xf32>
        tpu.vector_store %arg7[%swap3A_599, %swap3A_600], %swap3A_603 {strides = array<i32>} : memref<30x1024xf32, #tpu.memory_space<vmem>>, vector<1x16xf32>,
        %get3A_604 = arith.constant 160 : index
        %get3A_605 = tpu.vector_load %arg11[%get3A_604] {strides = array<i32>} : memref<256xf32, #tpu.memory_space<vmem>>, vector<16xf32>,
        %get3A_606 = vector.shape_cast %get3A_605 : vector<16xf32> to vector<16xf32>
        %swap3A_607 = arith.index_cast %scan3A_313 : i32 to index
        %swap3A_608 = arith.constant 672 : index
        %swap3A_609 = tpu.vector_load %arg7[%swap3A_607, %swap3A_608] {strides = array<i32>} : memref<30x1024xf32, #tpu.memory_space<vmem>>, vector<1x16xf32>,
        %swap3A_610 = vector.shape_cast %swap3A_609 : vector<1x16xf32> to vector<16xf32>
        %swap3A_611 = vector.shape_cast %get3A_606 : vector<16xf32> to vector<1x16xf32>
        tpu.vector_store %arg7[%swap3A_607, %swap3A_608], %swap3A_611 {strides = array<i32>} : memref<30x1024xf32, #tpu.memory_space<vmem>>, vector<1x16xf32>,
        %get3A_612 = arith.constant 160 : index
        %get3A_613 = tpu.vector_load %arg12[%get3A_612] {strides = array<i32>} : memref<256xf32, #tpu.memory_space<vmem>>, vector<16xf32>,
        %get3A_614 = vector.shape_cast %get3A_613 : vector<16xf32> to vector<16xf32>
        %swap3A_615 = arith.index_cast %scan3A_313 : i32 to index
        %swap3A_616 = arith.constant 928 : index
        %swap3A_617 = tpu.vector_load %arg7[%swap3A_615, %swap3A_616] {strides = array<i32>} : memref<30x1024xf32, #tpu.memory_space<vmem>>, vector<1x16xf32>,
        %swap3A_618 = vector.shape_cast %swap3A_617 : vector<1x16xf32> to vector<16xf32>
        %swap3A_619 = vector.shape_cast %get3A_614 : vector<16xf32> to vector<1x16xf32>
        tpu.vector_store %arg7[%swap3A_615, %swap3A_616], %swap3A_619 {strides = array<i32>} : memref<30x1024xf32, #tpu.memory_space<vmem>>, vector<1x16xf32>,
        %mul3A_620 = arith.constant 256 : i32
        %mul3A_621 = arith.muli %scan3A_313, %mul3A_620 : i32
        %add3A_622 = arith.constant 176 : i32
        %add3A_623 = arith.addi %mul3A_621, %add3A_622 : i32
        %get3A_624 = arith.index_cast %add3A_623 : i32 to index
        %get3A_625 = tpu.vector_load %arg10[%get3A_624] {strides = array<i32>} : memref<7680xf32, #tpu.memory_space<vmem>>, vector<16xf32>,
        %get3A_626 = vector.shape_cast %get3A_625 : vector<16xf32> to vector<16xf32>
        %swap3A_627 = arith.index_cast %scan3A_313 : i32 to index
        %swap3A_628 = arith.constant 432 : index
        %swap3A_629 = tpu.vector_load %arg7[%swap3A_627, %swap3A_628] {strides = array<i32>} : memref<30x1024xf32, #tpu.memory_space<vmem>>, vector<1x16xf32>,
        %swap3A_630 = vector.shape_cast %swap3A_629 : vector<1x16xf32> to vector<16xf32>
        %swap3A_631 = vector.shape_cast %get3A_626 : vector<16xf32> to vector<1x16xf32>
        tpu.vector_store %arg7[%swap3A_627, %swap3A_628], %swap3A_631 {strides = array<i32>} : memref<30x1024xf32, #tpu.memory_space<vmem>>, vector<1x16xf32>,
        %get3A_632 = arith.constant 176 : index
        %get3A_633 = tpu.vector_load %arg11[%get3A_632] {strides = array<i32>} : memref<256xf32, #tpu.memory_space<vmem>>, vector<16xf32>,
        %get3A_634 = vector.shape_cast %get3A_633 : vector<16xf32> to vector<16xf32>
        %swap3A_635 = arith.index_cast %scan3A_313 : i32 to index
        %swap3A_636 = arith.constant 688 : index
        %swap3A_637 = tpu.vector_load %arg7[%swap3A_635, %swap3A_636] {strides = array<i32>} : memref<30x1024xf32, #tpu.memory_space<vmem>>, vector<1x16xf32>,
        %swap3A_638 = vector.shape_cast %swap3A_637 : vector<1x16xf32> to vector<16xf32>
        %swap3A_639 = vector.shape_cast %get3A_634 : vector<16xf32> to vector<1x16xf32>
        tpu.vector_store %arg7[%swap3A_635, %swap3A_636], %swap3A_639 {strides = array<i32>} : memref<30x1024xf32, #tpu.memory_space<vmem>>, vector<1x16xf32>,
        %get3A_640 = arith.constant 176 : index
        %get3A_641 = tpu.vector_load %arg12[%get3A_640] {strides = array<i32>} : memref<256xf32, #tpu.memory_space<vmem>>, vector<16xf32>,
        %get3A_642 = vector.shape_cast %get3A_641 : vector<16xf32> to vector<16xf32>
        %swap3A_643 = arith.index_cast %scan3A_313 : i32 to index
        %swap3A_644 = arith.constant 944 : index
        %swap3A_645 = tpu.vector_load %arg7[%swap3A_643, %swap3A_644] {strides = array<i32>} : memref<30x1024xf32, #tpu.memory_space<vmem>>, vector<1x16xf32>,
        %swap3A_646 = vector.shape_cast %swap3A_645 : vector<1x16xf32> to vector<16xf32>
        %swap3A_647 = vector.shape_cast %get3A_642 : vector<16xf32> to vector<1x16xf32>
        tpu.vector_store %arg7[%swap3A_643, %swap3A_644], %swap3A_647 {strides = array<i32>} : memref<30x1024xf32, #tpu.memory_space<vmem>>, vector<1x16xf32>,
        %mul3A_648 = arith.constant 256 : i32
        %mul3A_649 = arith.muli %scan3A_313, %mul3A_648 : i32
        %add3A_650 = arith.constant 192 : i32
        %add3A_651 = arith.addi %mul3A_649, %add3A_650 : i32
        %get3A_652 = arith.index_cast %add3A_651 : i32 to index
        %get3A_653 = tpu.vector_load %arg10[%get3A_652] {strides = array<i32>} : memref<7680xf32, #tpu.memory_space<vmem>>, vector<16xf32>,
        %get3A_654 = vector.shape_cast %get3A_653 : vector<16xf32> to vector<16xf32>
        %swap3A_655 = arith.index_cast %scan3A_313 : i32 to index
        %swap3A_656 = arith.constant 448 : index
        %swap3A_657 = tpu.vector_load %arg7[%swap3A_655, %swap3A_656] {strides = array<i32>} : memref<30x1024xf32, #tpu.memory_space<vmem>>, vector<1x16xf32>,
        %swap3A_658 = vector.shape_cast %swap3A_657 : vector<1x16xf32> to vector<16xf32>
        %swap3A_659 = vector.shape_cast %get3A_654 : vector<16xf32> to vector<1x16xf32>
        tpu.vector_store %arg7[%swap3A_655, %swap3A_656], %swap3A_659 {strides = array<i32>} : memref<30x1024xf32, #tpu.memory_space<vmem>>, vector<1x16xf32>,
        %get3A_660 = arith.constant 192 : index
        %get3A_661 = tpu.vector_load %arg11[%get3A_660] {strides = array<i32>} : memref<256xf32, #tpu.memory_space<vmem>>, vector<16xf32>,
        %get3A_662 = vector.shape_cast %get3A_661 : vector<16xf32> to vector<16xf32>
        %swap3A_663 = arith.index_cast %scan3A_313 : i32 to index
        %swap3A_664 = arith.constant 704 : index
        %swap3A_665 = tpu.vector_load %arg7[%swap3A_663, %swap3A_664] {strides = array<i32>} : memref<30x1024xf32, #tpu.memory_space<vmem>>, vector<1x16xf32>,
        %swap3A_666 = vector.shape_cast %swap3A_665 : vector<1x16xf32> to vector<16xf32>
        %swap3A_667 = vector.shape_cast %get3A_662 : vector<16xf32> to vector<1x16xf32>
        tpu.vector_store %arg7[%swap3A_663, %swap3A_664], %swap3A_667 {strides = array<i32>} : memref<30x1024xf32, #tpu.memory_space<vmem>>, vector<1x16xf32>,
        %get3A_668 = arith.constant 192 : index
        %get3A_669 = tpu.vector_load %arg12[%get3A_668] {strides = array<i32>} : memref<256xf32, #tpu.memory_space<vmem>>, vector<16xf32>,
        %get3A_670 = vector.shape_cast %get3A_669 : vector<16xf32> to vector<16xf32>
        %swap3A_671 = arith.index_cast %scan3A_313 : i32 to index
        %swap3A_672 = arith.constant 960 : index
        %swap3A_673 = tpu.vector_load %arg7[%swap3A_671, %swap3A_672] {strides = array<i32>} : memref<30x1024xf32, #tpu.memory_space<vmem>>, vector<1x16xf32>,
        %swap3A_674 = vector.shape_cast %swap3A_673 : vector<1x16xf32> to vector<16xf32>
        %swap3A_675 = vector.shape_cast %get3A_670 : vector<16xf32> to vector<1x16xf32>
        tpu.vector_store %arg7[%swap3A_671, %swap3A_672], %swap3A_675 {strides = array<i32>} : memref<30x1024xf32, #tpu.memory_space<vmem>>, vector<1x16xf32>,
        %mul3A_676 = arith.constant 256 : i32
        %mul3A_677 = arith.muli %scan3A_313, %mul3A_676 : i32
        %add3A_678 = arith.constant 208 : i32
        %add3A_679 = arith.addi %mul3A_677, %add3A_678 : i32
        %get3A_680 = arith.index_cast %add3A_679 : i32 to index
        %get3A_681 = tpu.vector_load %arg10[%get3A_680] {strides = array<i32>} : memref<7680xf32, #tpu.memory_space<vmem>>, vector<16xf32>,
        %get3A_682 = vector.shape_cast %get3A_681 : vector<16xf32> to vector<16xf32>
        %swap3A_683 = arith.index_cast %scan3A_313 : i32 to index
        %swap3A_684 = arith.constant 464 : index
        %swap3A_685 = tpu.vector_load %arg7[%swap3A_683, %swap3A_684] {strides = array<i32>} : memref<30x1024xf32, #tpu.memory_space<vmem>>, vector<1x16xf32>,
        %swap3A_686 = vector.shape_cast %swap3A_685 : vector<1x16xf32> to vector<16xf32>
        %swap3A_687 = vector.shape_cast %get3A_682 : vector<16xf32> to vector<1x16xf32>
        tpu.vector_store %arg7[%swap3A_683, %swap3A_684], %swap3A_687 {strides = array<i32>} : memref<30x1024xf32, #tpu.memory_space<vmem>>, vector<1x16xf32>,
        %get3A_688 = arith.constant 208 : index
        %get3A_689 = tpu.vector_load %arg11[%get3A_688] {strides = array<i32>} : memref<256xf32, #tpu.memory_space<vmem>>, vector<16xf32>,
        %get3A_690 = vector.shape_cast %get3A_689 : vector<16xf32> to vector<16xf32>
        %swap3A_691 = arith.index_cast %scan3A_313 : i32 to index
        %swap3A_692 = arith.constant 720 : index
        %swap3A_693 = tpu.vector_load %arg7[%swap3A_691, %swap3A_692] {strides = array<i32>} : memref<30x1024xf32, #tpu.memory_space<vmem>>, vector<1x16xf32>,
        %swap3A_694 = vector.shape_cast %swap3A_693 : vector<1x16xf32> to vector<16xf32>
        %swap3A_695 = vector.shape_cast %get3A_690 : vector<16xf32> to vector<1x16xf32>
        tpu.vector_store %arg7[%swap3A_691, %swap3A_692], %swap3A_695 {strides = array<i32>} : memref<30x1024xf32, #tpu.memory_space<vmem>>, vector<1x16xf32>,
        %get3A_696 = arith.constant 208 : index
        %get3A_697 = tpu.vector_load %arg12[%get3A_696] {strides = array<i32>} : memref<256xf32, #tpu.memory_space<vmem>>, vector<16xf32>,
        %get3A_698 = vector.shape_cast %get3A_697 : vector<16xf32> to vector<16xf32>
        %swap3A_699 = arith.index_cast %scan3A_313 : i32 to index
        %swap3A_700 = arith.constant 976 : index
        %swap3A_701 = tpu.vector_load %arg7[%swap3A_699, %swap3A_700] {strides = array<i32>} : memref<30x1024xf32, #tpu.memory_space<vmem>>, vector<1x16xf32>,
        %swap3A_702 = vector.shape_cast %swap3A_701 : vector<1x16xf32> to vector<16xf32>
        %swap3A_703 = vector.shape_cast %get3A_698 : vector<16xf32> to vector<1x16xf32>
        tpu.vector_store %arg7[%swap3A_699, %swap3A_700], %swap3A_703 {strides = array<i32>} : memref<30x1024xf32, #tpu.memory_space<vmem>>, vector<1x16xf32>,
        %mul3A_704 = arith.constant 256 : i32
        %mul3A_705 = arith.muli %scan3A_313, %mul3A_704 : i32
        %add3A_706 = arith.constant 224 : i32
        %add3A_707 = arith.addi %mul3A_705, %add3A_706 : i32
        %get3A_708 = arith.index_cast %add3A_707 : i32 to index
        %get3A_709 = tpu.vector_load %arg10[%get3A_708] {strides = array<i32>} : memref<7680xf32, #tpu.memory_space<vmem>>, vector<16xf32>,
        %get3A_710 = vector.shape_cast %get3A_709 : vector<16xf32> to vector<16xf32>
        %swap3A_711 = arith.index_cast %scan3A_313 : i32 to index
        %swap3A_712 = arith.constant 480 : index
        %swap3A_713 = tpu.vector_load %arg7[%swap3A_711, %swap3A_712] {strides = array<i32>} : memref<30x1024xf32, #tpu.memory_space<vmem>>, vector<1x16xf32>,
        %swap3A_714 = vector.shape_cast %swap3A_713 : vector<1x16xf32> to vector<16xf32>
        %swap3A_715 = vector.shape_cast %get3A_710 : vector<16xf32> to vector<1x16xf32>
        tpu.vector_store %arg7[%swap3A_711, %swap3A_712], %swap3A_715 {strides = array<i32>} : memref<30x1024xf32, #tpu.memory_space<vmem>>, vector<1x16xf32>,
        %get3A_716 = arith.constant 224 : index
        %get3A_717 = tpu.vector_load %arg11[%get3A_716] {strides = array<i32>} : memref<256xf32, #tpu.memory_space<vmem>>, vector<16xf32>,
        %get3A_718 = vector.shape_cast %get3A_717 : vector<16xf32> to vector<16xf32>
        %swap3A_719 = arith.index_cast %scan3A_313 : i32 to index
        %swap3A_720 = arith.constant 736 : index
        %swap3A_721 = tpu.vector_load %arg7[%swap3A_719, %swap3A_720] {strides = array<i32>} : memref<30x1024xf32, #tpu.memory_space<vmem>>, vector<1x16xf32>,
        %swap3A_722 = vector.shape_cast %swap3A_721 : vector<1x16xf32> to vector<16xf32>
        %swap3A_723 = vector.shape_cast %get3A_718 : vector<16xf32> to vector<1x16xf32>
        tpu.vector_store %arg7[%swap3A_719, %swap3A_720], %swap3A_723 {strides = array<i32>} : memref<30x1024xf32, #tpu.memory_space<vmem>>, vector<1x16xf32>,
        %get3A_724 = arith.constant 224 : index
        %get3A_725 = tpu.vector_load %arg12[%get3A_724] {strides = array<i32>} : memref<256xf32, #tpu.memory_space<vmem>>, vector<16xf32>,
        %get3A_726 = vector.shape_cast %get3A_725 : vector<16xf32> to vector<16xf32>
        %swap3A_727 = arith.index_cast %scan3A_313 : i32 to index
        %swap3A_728 = arith.constant 992 : index
        %swap3A_729 = tpu.vector_load %arg7[%swap3A_727, %swap3A_728] {strides = array<i32>} : memref<30x1024xf32, #tpu.memory_space<vmem>>, vector<1x16xf32>,
        %swap3A_730 = vector.shape_cast %swap3A_729 : vector<1x16xf32> to vector<16xf32>
        %swap3A_731 = vector.shape_cast %get3A_726 : vector<16xf32> to vector<1x16xf32>
        tpu.vector_store %arg7[%swap3A_727, %swap3A_728], %swap3A_731 {strides = array<i32>} : memref<30x1024xf32, #tpu.memory_space<vmem>>, vector<1x16xf32>,
        %mul3A_732 = arith.constant 256 : i32
        %mul3A_733 = arith.muli %scan3A_313, %mul3A_732 : i32
        %add3A_734 = arith.constant 240 : i32
        %add3A_735 = arith.addi %mul3A_733, %add3A_734 : i32
        %get3A_736 = arith.index_cast %add3A_735 : i32 to index
        %get3A_737 = tpu.vector_load %arg10[%get3A_736] {strides = array<i32>} : memref<7680xf32, #tpu.memory_space<vmem>>, vector<16xf32>,
        %get3A_738 = vector.shape_cast %get3A_737 : vector<16xf32> to vector<16xf32>
        %swap3A_739 = arith.index_cast %scan3A_313 : i32 to index
        %swap3A_740 = arith.constant 496 : index
        %swap3A_741 = tpu.vector_load %arg7[%swap3A_739, %swap3A_740] {strides = array<i32>} : memref<30x1024xf32, #tpu.memory_space<vmem>>, vector<1x16xf32>,
        %swap3A_742 = vector.shape_cast %swap3A_741 : vector<1x16xf32> to vector<16xf32>
        %swap3A_743 = vector.shape_cast %get3A_738 : vector<16xf32> to vector<1x16xf32>
        tpu.vector_store %arg7[%swap3A_739, %swap3A_740], %swap3A_743 {strides = array<i32>} : memref<30x1024xf32, #tpu.memory_space<vmem>>, vector<1x16xf32>,
        %get3A_744 = arith.constant 240 : index
        %get3A_745 = tpu.vector_load %arg11[%get3A_744] {strides = array<i32>} : memref<256xf32, #tpu.memory_space<vmem>>, vector<16xf32>,
        %get3A_746 = vector.shape_cast %get3A_745 : vector<16xf32> to vector<16xf32>
        %swap3A_747 = arith.index_cast %scan3A_313 : i32 to index
        %swap3A_748 = arith.constant 752 : index
        %swap3A_749 = tpu.vector_load %arg7[%swap3A_747, %swap3A_748] {strides = array<i32>} : memref<30x1024xf32, #tpu.memory_space<vmem>>, vector<1x16xf32>,
        %swap3A_750 = vector.shape_cast %swap3A_749 : vector<1x16xf32> to vector<16xf32>
        %swap3A_751 = vector.shape_cast %get3A_746 : vector<16xf32> to vector<1x16xf32>
        tpu.vector_store %arg7[%swap3A_747, %swap3A_748], %swap3A_751 {strides = array<i32>} : memref<30x1024xf32, #tpu.memory_space<vmem>>, vector<1x16xf32>,
        %get3A_752 = arith.constant 240 : index
        %get3A_753 = tpu.vector_load %arg12[%get3A_752] {strides = array<i32>} : memref<256xf32, #tpu.memory_space<vmem>>, vector<16xf32>,
        %get3A_754 = vector.shape_cast %get3A_753 : vector<16xf32> to vector<16xf32>
        %swap3A_755 = arith.index_cast %scan3A_313 : i32 to index
        %swap3A_756 = arith.constant 1008 : index
        %swap3A_757 = tpu.vector_load %arg7[%swap3A_755, %swap3A_756] {strides = array<i32>} : memref<30x1024xf32, #tpu.memory_space<vmem>>, vector<1x16xf32>,
        %swap3A_758 = vector.shape_cast %swap3A_757 : vector<1x16xf32> to vector<16xf32>
        %swap3A_759 = vector.shape_cast %get3A_754 : vector<16xf32> to vector<1x16xf32>
        tpu.vector_store %arg7[%swap3A_755, %swap3A_756], %swap3A_759 {strides = array<i32>} : memref<30x1024xf32, #tpu.memory_space<vmem>>, vector<1x16xf32>,
      }
      %scan3A_86 = arith.constant 30 : i32
      %scan3A_87 = arith.constant 0 : i32
      %scan3A_88 = arith.constant 0 : i32
      %scan3A_89 = arith.constant 30 : i32
      %scan3A_90 = arith.addi %scan3A_88, %scan3A_89 : i32
      %scan3A_91 = arith.constant 1 : i32
      scf.for %scan3A_313 = %scan3A_88 to %scan3A_90 step %scan3A_91  : i32 {
        %mul3A_314 = arith.constant 256 : i32
        %mul3A_315 = arith.muli %scan3A_313, %mul3A_314 : i32
        %add3A_316 = arith.constant 0 : i32
        %add3A_317 = arith.addi %mul3A_315, %add3A_316 : i32
        %get3A = arith.index_cast %add3A_317 : i32 to index
        %get3A_318 = tpu.vector_load %arg10[%get3A] {strides = array<i32>} : memref<7680xf32, #tpu.memory_space<vmem>>, vector<16xf32>,
        %get3A_319 = vector.shape_cast %get3A_318 : vector<16xf32> to vector<16xf32>
        %swap3A = arith.index_cast %scan3A_313 : i32 to index
        %swap3A_320 = arith.constant 256 : index
        %swap3A_321 = tpu.vector_load %arg8[%swap3A, %swap3A_320] {strides = array<i32>} : memref<30x1024xf32, #tpu.memory_space<vmem>>, vector<1x16xf32>,
        %swap3A_322 = vector.shape_cast %swap3A_321 : vector<1x16xf32> to vector<16xf32>
        %swap3A_323 = vector.shape_cast %get3A_319 : vector<16xf32> to vector<1x16xf32>
        tpu.vector_store %arg8[%swap3A, %swap3A_320], %swap3A_323 {strides = array<i32>} : memref<30x1024xf32, #tpu.memory_space<vmem>>, vector<1x16xf32>,
        %get3A_324 = arith.constant 0 : index
        %get3A_325 = tpu.vector_load %arg11[%get3A_324] {strides = array<i32>} : memref<256xf32, #tpu.memory_space<vmem>>, vector<16xf32>,
        %get3A_326 = vector.shape_cast %get3A_325 : vector<16xf32> to vector<16xf32>
        %swap3A_327 = arith.index_cast %scan3A_313 : i32 to index
        %swap3A_328 = arith.constant 512 : index
        %swap3A_329 = tpu.vector_load %arg8[%swap3A_327, %swap3A_328] {strides = array<i32>} : memref<30x1024xf32, #tpu.memory_space<vmem>>, vector<1x16xf32>,
        %swap3A_330 = vector.shape_cast %swap3A_329 : vector<1x16xf32> to vector<16xf32>
        %swap3A_331 = vector.shape_cast %get3A_326 : vector<16xf32> to vector<1x16xf32>
        tpu.vector_store %arg8[%swap3A_327, %swap3A_328], %swap3A_331 {strides = array<i32>} : memref<30x1024xf32, #tpu.memory_space<vmem>>, vector<1x16xf32>,
        %get3A_332 = arith.constant 0 : index
        %get3A_333 = tpu.vector_load %arg12[%get3A_332] {strides = array<i32>} : memref<256xf32, #tpu.memory_space<vmem>>, vector<16xf32>,
        %get3A_334 = vector.shape_cast %get3A_333 : vector<16xf32> to vector<16xf32>
        %swap3A_335 = arith.index_cast %scan3A_313 : i32 to index
        %swap3A_336 = arith.constant 768 : index
        %swap3A_337 = tpu.vector_load %arg8[%swap3A_335, %swap3A_336] {strides = array<i32>} : memref<30x1024xf32, #tpu.memory_space<vmem>>, vector<1x16xf32>,
        %swap3A_338 = vector.shape_cast %swap3A_337 : vector<1x16xf32> to vector<16xf32>
        %swap3A_339 = vector.shape_cast %get3A_334 : vector<16xf32> to vector<1x16xf32>
        tpu.vector_store %arg8[%swap3A_335, %swap3A_336], %swap3A_339 {strides = array<i32>} : memref<30x1024xf32, #tpu.memory_space<vmem>>, vector<1x16xf32>,
        %mul3A_340 = arith.constant 256 : i32
        %mul3A_341 = arith.muli %scan3A_313, %mul3A_340 : i32
        %add3A_342 = arith.constant 16 : i32
        %add3A_343 = arith.addi %mul3A_341, %add3A_342 : i32
        %get3A_344 = arith.index_cast %add3A_343 : i32 to index
        %get3A_345 = tpu.vector_load %arg10[%get3A_344] {strides = array<i32>} : memref<7680xf32, #tpu.memory_space<vmem>>, vector<16xf32>,
        %get3A_346 = vector.shape_cast %get3A_345 : vector<16xf32> to vector<16xf32>
        %swap3A_347 = arith.index_cast %scan3A_313 : i32 to index
        %swap3A_348 = arith.constant 272 : index
        %swap3A_349 = tpu.vector_load %arg8[%swap3A_347, %swap3A_348] {strides = array<i32>} : memref<30x1024xf32, #tpu.memory_space<vmem>>, vector<1x16xf32>,
        %swap3A_350 = vector.shape_cast %swap3A_349 : vector<1x16xf32> to vector<16xf32>
        %swap3A_351 = vector.shape_cast %get3A_346 : vector<16xf32> to vector<1x16xf32>
        tpu.vector_store %arg8[%swap3A_347, %swap3A_348], %swap3A_351 {strides = array<i32>} : memref<30x1024xf32, #tpu.memory_space<vmem>>, vector<1x16xf32>,
        %get3A_352 = arith.constant 16 : index
        %get3A_353 = tpu.vector_load %arg11[%get3A_352] {strides = array<i32>} : memref<256xf32, #tpu.memory_space<vmem>>, vector<16xf32>,
        %get3A_354 = vector.shape_cast %get3A_353 : vector<16xf32> to vector<16xf32>
        %swap3A_355 = arith.index_cast %scan3A_313 : i32 to index
        %swap3A_356 = arith.constant 528 : index
        %swap3A_357 = tpu.vector_load %arg8[%swap3A_355, %swap3A_356] {strides = array<i32>} : memref<30x1024xf32, #tpu.memory_space<vmem>>, vector<1x16xf32>,
        %swap3A_358 = vector.shape_cast %swap3A_357 : vector<1x16xf32> to vector<16xf32>
        %swap3A_359 = vector.shape_cast %get3A_354 : vector<16xf32> to vector<1x16xf32>
        tpu.vector_store %arg8[%swap3A_355, %swap3A_356], %swap3A_359 {strides = array<i32>} : memref<30x1024xf32, #tpu.memory_space<vmem>>, vector<1x16xf32>,
        %get3A_360 = arith.constant 16 : index
        %get3A_361 = tpu.vector_load %arg12[%get3A_360] {strides = array<i32>} : memref<256xf32, #tpu.memory_space<vmem>>, vector<16xf32>,
        %get3A_362 = vector.shape_cast %get3A_361 : vector<16xf32> to vector<16xf32>
        %swap3A_363 = arith.index_cast %scan3A_313 : i32 to index
        %swap3A_364 = arith.constant 784 : index
        %swap3A_365 = tpu.vector_load %arg8[%swap3A_363, %swap3A_364] {strides = array<i32>} : memref<30x1024xf32, #tpu.memory_space<vmem>>, vector<1x16xf32>,
        %swap3A_366 = vector.shape_cast %swap3A_365 : vector<1x16xf32> to vector<16xf32>
        %swap3A_367 = vector.shape_cast %get3A_362 : vector<16xf32> to vector<1x16xf32>
        tpu.vector_store %arg8[%swap3A_363, %swap3A_364], %swap3A_367 {strides = array<i32>} : memref<30x1024xf32, #tpu.memory_space<vmem>>, vector<1x16xf32>,
        %mul3A_368 = arith.constant 256 : i32
        %mul3A_369 = arith.muli %scan3A_313, %mul3A_368 : i32
        %add3A_370 = arith.constant 32 : i32
        %add3A_371 = arith.addi %mul3A_369, %add3A_370 : i32
        %get3A_372 = arith.index_cast %add3A_371 : i32 to index
        %get3A_373 = tpu.vector_load %arg10[%get3A_372] {strides = array<i32>} : memref<7680xf32, #tpu.memory_space<vmem>>, vector<16xf32>,
        %get3A_374 = vector.shape_cast %get3A_373 : vector<16xf32> to vector<16xf32>
        %swap3A_375 = arith.index_cast %scan3A_313 : i32 to index
        %swap3A_376 = arith.constant 288 : index
        %swap3A_377 = tpu.vector_load %arg8[%swap3A_375, %swap3A_376] {strides = array<i32>} : memref<30x1024xf32, #tpu.memory_space<vmem>>, vector<1x16xf32>,
        %swap3A_378 = vector.shape_cast %swap3A_377 : vector<1x16xf32> to vector<16xf32>
        %swap3A_379 = vector.shape_cast %get3A_374 : vector<16xf32> to vector<1x16xf32>
        tpu.vector_store %arg8[%swap3A_375, %swap3A_376], %swap3A_379 {strides = array<i32>} : memref<30x1024xf32, #tpu.memory_space<vmem>>, vector<1x16xf32>,
        %get3A_380 = arith.constant 32 : index
        %get3A_381 = tpu.vector_load %arg11[%get3A_380] {strides = array<i32>} : memref<256xf32, #tpu.memory_space<vmem>>, vector<16xf32>,
        %get3A_382 = vector.shape_cast %get3A_381 : vector<16xf32> to vector<16xf32>
        %swap3A_383 = arith.index_cast %scan3A_313 : i32 to index
        %swap3A_384 = arith.constant 544 : index
        %swap3A_385 = tpu.vector_load %arg8[%swap3A_383, %swap3A_384] {strides = array<i32>} : memref<30x1024xf32, #tpu.memory_space<vmem>>, vector<1x16xf32>,
        %swap3A_386 = vector.shape_cast %swap3A_385 : vector<1x16xf32> to vector<16xf32>
        %swap3A_387 = vector.shape_cast %get3A_382 : vector<16xf32> to vector<1x16xf32>
        tpu.vector_store %arg8[%swap3A_383, %swap3A_384], %swap3A_387 {strides = array<i32>} : memref<30x1024xf32, #tpu.memory_space<vmem>>, vector<1x16xf32>,
        %get3A_388 = arith.constant 32 : index
        %get3A_389 = tpu.vector_load %arg12[%get3A_388] {strides = array<i32>} : memref<256xf32, #tpu.memory_space<vmem>>, vector<16xf32>,
        %get3A_390 = vector.shape_cast %get3A_389 : vector<16xf32> to vector<16xf32>
        %swap3A_391 = arith.index_cast %scan3A_313 : i32 to index
        %swap3A_392 = arith.constant 800 : index
        %swap3A_393 = tpu.vector_load %arg8[%swap3A_391, %swap3A_392] {strides = array<i32>} : memref<30x1024xf32, #tpu.memory_space<vmem>>, vector<1x16xf32>,
        %swap3A_394 = vector.shape_cast %swap3A_393 : vector<1x16xf32> to vector<16xf32>
        %swap3A_395 = vector.shape_cast %get3A_390 : vector<16xf32> to vector<1x16xf32>
        tpu.vector_store %arg8[%swap3A_391, %swap3A_392], %swap3A_395 {strides = array<i32>} : memref<30x1024xf32, #tpu.memory_space<vmem>>, vector<1x16xf32>,
        %mul3A_396 = arith.constant 256 : i32
        %mul3A_397 = arith.muli %scan3A_313, %mul3A_396 : i32
        %add3A_398 = arith.constant 48 : i32
        %add3A_399 = arith.addi %mul3A_397, %add3A_398 : i32
        %get3A_400 = arith.index_cast %add3A_399 : i32 to index
        %get3A_401 = tpu.vector_load %arg10[%get3A_400] {strides = array<i32>} : memref<7680xf32, #tpu.memory_space<vmem>>, vector<16xf32>,
        %get3A_402 = vector.shape_cast %get3A_401 : vector<16xf32> to vector<16xf32>
        %swap3A_403 = arith.index_cast %scan3A_313 : i32 to index
        %swap3A_404 = arith.constant 304 : index
        %swap3A_405 = tpu.vector_load %arg8[%swap3A_403, %swap3A_404] {strides = array<i32>} : memref<30x1024xf32, #tpu.memory_space<vmem>>, vector<1x16xf32>,
        %swap3A_406 = vector.shape_cast %swap3A_405 : vector<1x16xf32> to vector<16xf32>
        %swap3A_407 = vector.shape_cast %get3A_402 : vector<16xf32> to vector<1x16xf32>
        tpu.vector_store %arg8[%swap3A_403, %swap3A_404], %swap3A_407 {strides = array<i32>} : memref<30x1024xf32, #tpu.memory_space<vmem>>, vector<1x16xf32>,
        %get3A_408 = arith.constant 48 : index
        %get3A_409 = tpu.vector_load %arg11[%get3A_408] {strides = array<i32>} : memref<256xf32, #tpu.memory_space<vmem>>, vector<16xf32>,
        %get3A_410 = vector.shape_cast %get3A_409 : vector<16xf32> to vector<16xf32>
        %swap3A_411 = arith.index_cast %scan3A_313 : i32 to index
        %swap3A_412 = arith.constant 560 : index
        %swap3A_413 = tpu.vector_load %arg8[%swap3A_411, %swap3A_412] {strides = array<i32>} : memref<30x1024xf32, #tpu.memory_space<vmem>>, vector<1x16xf32>,
        %swap3A_414 = vector.shape_cast %swap3A_413 : vector<1x16xf32> to vector<16xf32>
        %swap3A_415 = vector.shape_cast %get3A_410 : vector<16xf32> to vector<1x16xf32>
        tpu.vector_store %arg8[%swap3A_411, %swap3A_412], %swap3A_415 {strides = array<i32>} : memref<30x1024xf32, #tpu.memory_space<vmem>>, vector<1x16xf32>,
        %get3A_416 = arith.constant 48 : index
        %get3A_417 = tpu.vector_load %arg12[%get3A_416] {strides = array<i32>} : memref<256xf32, #tpu.memory_space<vmem>>, vector<16xf32>,
        %get3A_418 = vector.shape_cast %get3A_417 : vector<16xf32> to vector<16xf32>
        %swap3A_419 = arith.index_cast %scan3A_313 : i32 to index
        %swap3A_420 = arith.constant 816 : index
        %swap3A_421 = tpu.vector_load %arg8[%swap3A_419, %swap3A_420] {strides = array<i32>} : memref<30x1024xf32, #tpu.memory_space<vmem>>, vector<1x16xf32>,
        %swap3A_422 = vector.shape_cast %swap3A_421 : vector<1x16xf32> to vector<16xf32>
        %swap3A_423 = vector.shape_cast %get3A_418 : vector<16xf32> to vector<1x16xf32>
        tpu.vector_store %arg8[%swap3A_419, %swap3A_420], %swap3A_423 {strides = array<i32>} : memref<30x1024xf32, #tpu.memory_space<vmem>>, vector<1x16xf32>,
        %mul3A_424 = arith.constant 256 : i32
        %mul3A_425 = arith.muli %scan3A_313, %mul3A_424 : i32
        %add3A_426 = arith.constant 64 : i32
        %add3A_427 = arith.addi %mul3A_425, %add3A_426 : i32
        %get3A_428 = arith.index_cast %add3A_427 : i32 to index
        %get3A_429 = tpu.vector_load %arg10[%get3A_428] {strides = array<i32>} : memref<7680xf32, #tpu.memory_space<vmem>>, vector<16xf32>,
        %get3A_430 = vector.shape_cast %get3A_429 : vector<16xf32> to vector<16xf32>
        %swap3A_431 = arith.index_cast %scan3A_313 : i32 to index
        %swap3A_432 = arith.constant 320 : index
        %swap3A_433 = tpu.vector_load %arg8[%swap3A_431, %swap3A_432] {strides = array<i32>} : memref<30x1024xf32, #tpu.memory_space<vmem>>, vector<1x16xf32>,
        %swap3A_434 = vector.shape_cast %swap3A_433 : vector<1x16xf32> to vector<16xf32>
        %swap3A_435 = vector.shape_cast %get3A_430 : vector<16xf32> to vector<1x16xf32>
        tpu.vector_store %arg8[%swap3A_431, %swap3A_432], %swap3A_435 {strides = array<i32>} : memref<30x1024xf32, #tpu.memory_space<vmem>>, vector<1x16xf32>,
        %get3A_436 = arith.constant 64 : index
        %get3A_437 = tpu.vector_load %arg11[%get3A_436] {strides = array<i32>} : memref<256xf32, #tpu.memory_space<vmem>>, vector<16xf32>,
        %get3A_438 = vector.shape_cast %get3A_437 : vector<16xf32> to vector<16xf32>
        %swap3A_439 = arith.index_cast %scan3A_313 : i32 to index
        %swap3A_440 = arith.constant 576 : index
        %swap3A_441 = tpu.vector_load %arg8[%swap3A_439, %swap3A_440] {strides = array<i32>} : memref<30x1024xf32, #tpu.memory_space<vmem>>, vector<1x16xf32>,
        %swap3A_442 = vector.shape_cast %swap3A_441 : vector<1x16xf32> to vector<16xf32>
        %swap3A_443 = vector.shape_cast %get3A_438 : vector<16xf32> to vector<1x16xf32>
        tpu.vector_store %arg8[%swap3A_439, %swap3A_440], %swap3A_443 {strides = array<i32>} : memref<30x1024xf32, #tpu.memory_space<vmem>>, vector<1x16xf32>,
        %get3A_444 = arith.constant 64 : index
        %get3A_445 = tpu.vector_load %arg12[%get3A_444] {strides = array<i32>} : memref<256xf32, #tpu.memory_space<vmem>>, vector<16xf32>,
        %get3A_446 = vector.shape_cast %get3A_445 : vector<16xf32> to vector<16xf32>
        %swap3A_447 = arith.index_cast %scan3A_313 : i32 to index
        %swap3A_448 = arith.constant 832 : index
        %swap3A_449 = tpu.vector_load %arg8[%swap3A_447, %swap3A_448] {strides = array<i32>} : memref<30x1024xf32, #tpu.memory_space<vmem>>, vector<1x16xf32>,
        %swap3A_450 = vector.shape_cast %swap3A_449 : vector<1x16xf32> to vector<16xf32>
        %swap3A_451 = vector.shape_cast %get3A_446 : vector<16xf32> to vector<1x16xf32>
        tpu.vector_store %arg8[%swap3A_447, %swap3A_448], %swap3A_451 {strides = array<i32>} : memref<30x1024xf32, #tpu.memory_space<vmem>>, vector<1x16xf32>,
        %mul3A_452 = arith.constant 256 : i32
        %mul3A_453 = arith.muli %scan3A_313, %mul3A_452 : i32
        %add3A_454 = arith.constant 80 : i32
        %add3A_455 = arith.addi %mul3A_453, %add3A_454 : i32
        %get3A_456 = arith.index_cast %add3A_455 : i32 to index
        %get3A_457 = tpu.vector_load %arg10[%get3A_456] {strides = array<i32>} : memref<7680xf32, #tpu.memory_space<vmem>>, vector<16xf32>,
        %get3A_458 = vector.shape_cast %get3A_457 : vector<16xf32> to vector<16xf32>
        %swap3A_459 = arith.index_cast %scan3A_313 : i32 to index
        %swap3A_460 = arith.constant 336 : index
        %swap3A_461 = tpu.vector_load %arg8[%swap3A_459, %swap3A_460] {strides = array<i32>} : memref<30x1024xf32, #tpu.memory_space<vmem>>, vector<1x16xf32>,
        %swap3A_462 = vector.shape_cast %swap3A_461 : vector<1x16xf32> to vector<16xf32>
        %swap3A_463 = vector.shape_cast %get3A_458 : vector<16xf32> to vector<1x16xf32>
        tpu.vector_store %arg8[%swap3A_459, %swap3A_460], %swap3A_463 {strides = array<i32>} : memref<30x1024xf32, #tpu.memory_space<vmem>>, vector<1x16xf32>,
        %get3A_464 = arith.constant 80 : index
        %get3A_465 = tpu.vector_load %arg11[%get3A_464] {strides = array<i32>} : memref<256xf32, #tpu.memory_space<vmem>>, vector<16xf32>,
        %get3A_466 = vector.shape_cast %get3A_465 : vector<16xf32> to vector<16xf32>
        %swap3A_467 = arith.index_cast %scan3A_313 : i32 to index
        %swap3A_468 = arith.constant 592 : index
        %swap3A_469 = tpu.vector_load %arg8[%swap3A_467, %swap3A_468] {strides = array<i32>} : memref<30x1024xf32, #tpu.memory_space<vmem>>, vector<1x16xf32>,
        %swap3A_470 = vector.shape_cast %swap3A_469 : vector<1x16xf32> to vector<16xf32>
        %swap3A_471 = vector.shape_cast %get3A_466 : vector<16xf32> to vector<1x16xf32>
        tpu.vector_store %arg8[%swap3A_467, %swap3A_468], %swap3A_471 {strides = array<i32>} : memref<30x1024xf32, #tpu.memory_space<vmem>>, vector<1x16xf32>,
        %get3A_472 = arith.constant 80 : index
        %get3A_473 = tpu.vector_load %arg12[%get3A_472] {strides = array<i32>} : memref<256xf32, #tpu.memory_space<vmem>>, vector<16xf32>,
        %get3A_474 = vector.shape_cast %get3A_473 : vector<16xf32> to vector<16xf32>
        %swap3A_475 = arith.index_cast %scan3A_313 : i32 to index
        %swap3A_476 = arith.constant 848 : index
        %swap3A_477 = tpu.vector_load %arg8[%swap3A_475, %swap3A_476] {strides = array<i32>} : memref<30x1024xf32, #tpu.memory_space<vmem>>, vector<1x16xf32>,
        %swap3A_478 = vector.shape_cast %swap3A_477 : vector<1x16xf32> to vector<16xf32>
        %swap3A_479 = vector.shape_cast %get3A_474 : vector<16xf32> to vector<1x16xf32>
        tpu.vector_store %arg8[%swap3A_475, %swap3A_476], %swap3A_479 {strides = array<i32>} : memref<30x1024xf32, #tpu.memory_space<vmem>>, vector<1x16xf32>,
        %mul3A_480 = arith.constant 256 : i32
        %mul3A_481 = arith.muli %scan3A_313, %mul3A_480 : i32
        %add3A_482 = arith.constant 96 : i32
        %add3A_483 = arith.addi %mul3A_481, %add3A_482 : i32
        %get3A_484 = arith.index_cast %add3A_483 : i32 to index
        %get3A_485 = tpu.vector_load %arg10[%get3A_484] {strides = array<i32>} : memref<7680xf32, #tpu.memory_space<vmem>>, vector<16xf32>,
        %get3A_486 = vector.shape_cast %get3A_485 : vector<16xf32> to vector<16xf32>
        %swap3A_487 = arith.index_cast %scan3A_313 : i32 to index
        %swap3A_488 = arith.constant 352 : index
        %swap3A_489 = tpu.vector_load %arg8[%swap3A_487, %swap3A_488] {strides = array<i32>} : memref<30x1024xf32, #tpu.memory_space<vmem>>, vector<1x16xf32>,
        %swap3A_490 = vector.shape_cast %swap3A_489 : vector<1x16xf32> to vector<16xf32>
        %swap3A_491 = vector.shape_cast %get3A_486 : vector<16xf32> to vector<1x16xf32>
        tpu.vector_store %arg8[%swap3A_487, %swap3A_488], %swap3A_491 {strides = array<i32>} : memref<30x1024xf32, #tpu.memory_space<vmem>>, vector<1x16xf32>,
        %get3A_492 = arith.constant 96 : index
        %get3A_493 = tpu.vector_load %arg11[%get3A_492] {strides = array<i32>} : memref<256xf32, #tpu.memory_space<vmem>>, vector<16xf32>,
        %get3A_494 = vector.shape_cast %get3A_493 : vector<16xf32> to vector<16xf32>
        %swap3A_495 = arith.index_cast %scan3A_313 : i32 to index
        %swap3A_496 = arith.constant 608 : index
        %swap3A_497 = tpu.vector_load %arg8[%swap3A_495, %swap3A_496] {strides = array<i32>} : memref<30x1024xf32, #tpu.memory_space<vmem>>, vector<1x16xf32>,
        %swap3A_498 = vector.shape_cast %swap3A_497 : vector<1x16xf32> to vector<16xf32>
        %swap3A_499 = vector.shape_cast %get3A_494 : vector<16xf32> to vector<1x16xf32>
        tpu.vector_store %arg8[%swap3A_495, %swap3A_496], %swap3A_499 {strides = array<i32>} : memref<30x1024xf32, #tpu.memory_space<vmem>>, vector<1x16xf32>,
        %get3A_500 = arith.constant 96 : index
        %get3A_501 = tpu.vector_load %arg12[%get3A_500] {strides = array<i32>} : memref<256xf32, #tpu.memory_space<vmem>>, vector<16xf32>,
        %get3A_502 = vector.shape_cast %get3A_501 : vector<16xf32> to vector<16xf32>
        %swap3A_503 = arith.index_cast %scan3A_313 : i32 to index
        %swap3A_504 = arith.constant 864 : index
        %swap3A_505 = tpu.vector_load %arg8[%swap3A_503, %swap3A_504] {strides = array<i32>} : memref<30x1024xf32, #tpu.memory_space<vmem>>, vector<1x16xf32>,
        %swap3A_506 = vector.shape_cast %swap3A_505 : vector<1x16xf32> to vector<16xf32>
        %swap3A_507 = vector.shape_cast %get3A_502 : vector<16xf32> to vector<1x16xf32>
        tpu.vector_store %arg8[%swap3A_503, %swap3A_504], %swap3A_507 {strides = array<i32>} : memref<30x1024xf32, #tpu.memory_space<vmem>>, vector<1x16xf32>,
        %mul3A_508 = arith.constant 256 : i32
        %mul3A_509 = arith.muli %scan3A_313, %mul3A_508 : i32
        %add3A_510 = arith.constant 112 : i32
        %add3A_511 = arith.addi %mul3A_509, %add3A_510 : i32
        %get3A_512 = arith.index_cast %add3A_511 : i32 to index
        %get3A_513 = tpu.vector_load %arg10[%get3A_512] {strides = array<i32>} : memref<7680xf32, #tpu.memory_space<vmem>>, vector<16xf32>,
        %get3A_514 = vector.shape_cast %get3A_513 : vector<16xf32> to vector<16xf32>
        %swap3A_515 = arith.index_cast %scan3A_313 : i32 to index
        %swap3A_516 = arith.constant 368 : index
        %swap3A_517 = tpu.vector_load %arg8[%swap3A_515, %swap3A_516] {strides = array<i32>} : memref<30x1024xf32, #tpu.memory_space<vmem>>, vector<1x16xf32>,
        %swap3A_518 = vector.shape_cast %swap3A_517 : vector<1x16xf32> to vector<16xf32>
        %swap3A_519 = vector.shape_cast %get3A_514 : vector<16xf32> to vector<1x16xf32>
        tpu.vector_store %arg8[%swap3A_515, %swap3A_516], %swap3A_519 {strides = array<i32>} : memref<30x1024xf32, #tpu.memory_space<vmem>>, vector<1x16xf32>,
        %get3A_520 = arith.constant 112 : index
        %get3A_521 = tpu.vector_load %arg11[%get3A_520] {strides = array<i32>} : memref<256xf32, #tpu.memory_space<vmem>>, vector<16xf32>,
        %get3A_522 = vector.shape_cast %get3A_521 : vector<16xf32> to vector<16xf32>
        %swap3A_523 = arith.index_cast %scan3A_313 : i32 to index
        %swap3A_524 = arith.constant 624 : index
        %swap3A_525 = tpu.vector_load %arg8[%swap3A_523, %swap3A_524] {strides = array<i32>} : memref<30x1024xf32, #tpu.memory_space<vmem>>, vector<1x16xf32>,
        %swap3A_526 = vector.shape_cast %swap3A_525 : vector<1x16xf32> to vector<16xf32>
        %swap3A_527 = vector.shape_cast %get3A_522 : vector<16xf32> to vector<1x16xf32>
        tpu.vector_store %arg8[%swap3A_523, %swap3A_524], %swap3A_527 {strides = array<i32>} : memref<30x1024xf32, #tpu.memory_space<vmem>>, vector<1x16xf32>,
        %get3A_528 = arith.constant 112 : index
        %get3A_529 = tpu.vector_load %arg12[%get3A_528] {strides = array<i32>} : memref<256xf32, #tpu.memory_space<vmem>>, vector<16xf32>,
        %get3A_530 = vector.shape_cast %get3A_529 : vector<16xf32> to vector<16xf32>
        %swap3A_531 = arith.index_cast %scan3A_313 : i32 to index
        %swap3A_532 = arith.constant 880 : index
        %swap3A_533 = tpu.vector_load %arg8[%swap3A_531, %swap3A_532] {strides = array<i32>} : memref<30x1024xf32, #tpu.memory_space<vmem>>, vector<1x16xf32>,
        %swap3A_534 = vector.shape_cast %swap3A_533 : vector<1x16xf32> to vector<16xf32>
        %swap3A_535 = vector.shape_cast %get3A_530 : vector<16xf32> to vector<1x16xf32>
        tpu.vector_store %arg8[%swap3A_531, %swap3A_532], %swap3A_535 {strides = array<i32>} : memref<30x1024xf32, #tpu.memory_space<vmem>>, vector<1x16xf32>,
        %mul3A_536 = arith.constant 256 : i32
        %mul3A_537 = arith.muli %scan3A_313, %mul3A_536 : i32
        %add3A_538 = arith.constant 128 : i32
        %add3A_539 = arith.addi %mul3A_537, %add3A_538 : i32
        %get3A_540 = arith.index_cast %add3A_539 : i32 to index
        %get3A_541 = tpu.vector_load %arg10[%get3A_540] {strides = array<i32>} : memref<7680xf32, #tpu.memory_space<vmem>>, vector<16xf32>,
        %get3A_542 = vector.shape_cast %get3A_541 : vector<16xf32> to vector<16xf32>
        %swap3A_543 = arith.index_cast %scan3A_313 : i32 to index
        %swap3A_544 = arith.constant 384 : index
        %swap3A_545 = tpu.vector_load %arg8[%swap3A_543, %swap3A_544] {strides = array<i32>} : memref<30x1024xf32, #tpu.memory_space<vmem>>, vector<1x16xf32>,
        %swap3A_546 = vector.shape_cast %swap3A_545 : vector<1x16xf32> to vector<16xf32>
        %swap3A_547 = vector.shape_cast %get3A_542 : vector<16xf32> to vector<1x16xf32>
        tpu.vector_store %arg8[%swap3A_543, %swap3A_544], %swap3A_547 {strides = array<i32>} : memref<30x1024xf32, #tpu.memory_space<vmem>>, vector<1x16xf32>,
        %get3A_548 = arith.constant 128 : index
        %get3A_549 = tpu.vector_load %arg11[%get3A_548] {strides = array<i32>} : memref<256xf32, #tpu.memory_space<vmem>>, vector<16xf32>,
        %get3A_550 = vector.shape_cast %get3A_549 : vector<16xf32> to vector<16xf32>
        %swap3A_551 = arith.index_cast %scan3A_313 : i32 to index
        %swap3A_552 = arith.constant 640 : index
        %swap3A_553 = tpu.vector_load %arg8[%swap3A_551, %swap3A_552] {strides = array<i32>} : memref<30x1024xf32, #tpu.memory_space<vmem>>, vector<1x16xf32>,
        %swap3A_554 = vector.shape_cast %swap3A_553 : vector<1x16xf32> to vector<16xf32>
        %swap3A_555 = vector.shape_cast %get3A_550 : vector<16xf32> to vector<1x16xf32>
        tpu.vector_store %arg8[%swap3A_551, %swap3A_552], %swap3A_555 {strides = array<i32>} : memref<30x1024xf32, #tpu.memory_space<vmem>>, vector<1x16xf32>,
        %get3A_556 = arith.constant 128 : index
        %get3A_557 = tpu.vector_load %arg12[%get3A_556] {strides = array<i32>} : memref<256xf32, #tpu.memory_space<vmem>>, vector<16xf32>,
        %get3A_558 = vector.shape_cast %get3A_557 : vector<16xf32> to vector<16xf32>
        %swap3A_559 = arith.index_cast %scan3A_313 : i32 to index
        %swap3A_560 = arith.constant 896 : index
        %swap3A_561 = tpu.vector_load %arg8[%swap3A_559, %swap3A_560] {strides = array<i32>} : memref<30x1024xf32, #tpu.memory_space<vmem>>, vector<1x16xf32>,
        %swap3A_562 = vector.shape_cast %swap3A_561 : vector<1x16xf32> to vector<16xf32>
        %swap3A_563 = vector.shape_cast %get3A_558 : vector<16xf32> to vector<1x16xf32>
        tpu.vector_store %arg8[%swap3A_559, %swap3A_560], %swap3A_563 {strides = array<i32>} : memref<30x1024xf32, #tpu.memory_space<vmem>>, vector<1x16xf32>,
        %mul3A_564 = arith.constant 256 : i32
        %mul3A_565 = arith.muli %scan3A_313, %mul3A_564 : i32
        %add3A_566 = arith.constant 144 : i32
        %add3A_567 = arith.addi %mul3A_565, %add3A_566 : i32
        %get3A_568 = arith.index_cast %add3A_567 : i32 to index
        %get3A_569 = tpu.vector_load %arg10[%get3A_568] {strides = array<i32>} : memref<7680xf32, #tpu.memory_space<vmem>>, vector<16xf32>,
        %get3A_570 = vector.shape_cast %get3A_569 : vector<16xf32> to vector<16xf32>
        %swap3A_571 = arith.index_cast %scan3A_313 : i32 to index
        %swap3A_572 = arith.constant 400 : index
        %swap3A_573 = tpu.vector_load %arg8[%swap3A_571, %swap3A_572] {strides = array<i32>} : memref<30x1024xf32, #tpu.memory_space<vmem>>, vector<1x16xf32>,
        %swap3A_574 = vector.shape_cast %swap3A_573 : vector<1x16xf32> to vector<16xf32>
        %swap3A_575 = vector.shape_cast %get3A_570 : vector<16xf32> to vector<1x16xf32>
        tpu.vector_store %arg8[%swap3A_571, %swap3A_572], %swap3A_575 {strides = array<i32>} : memref<30x1024xf32, #tpu.memory_space<vmem>>, vector<1x16xf32>,
        %get3A_576 = arith.constant 144 : index
        %get3A_577 = tpu.vector_load %arg11[%get3A_576] {strides = array<i32>} : memref<256xf32, #tpu.memory_space<vmem>>, vector<16xf32>,
        %get3A_578 = vector.shape_cast %get3A_577 : vector<16xf32> to vector<16xf32>
        %swap3A_579 = arith.index_cast %scan3A_313 : i32 to index
        %swap3A_580 = arith.constant 656 : index
        %swap3A_581 = tpu.vector_load %arg8[%swap3A_579, %swap3A_580] {strides = array<i32>} : memref<30x1024xf32, #tpu.memory_space<vmem>>, vector<1x16xf32>,
        %swap3A_582 = vector.shape_cast %swap3A_581 : vector<1x16xf32> to vector<16xf32>
        %swap3A_583 = vector.shape_cast %get3A_578 : vector<16xf32> to vector<1x16xf32>
        tpu.vector_store %arg8[%swap3A_579, %swap3A_580], %swap3A_583 {strides = array<i32>} : memref<30x1024xf32, #tpu.memory_space<vmem>>, vector<1x16xf32>,
        %get3A_584 = arith.constant 144 : index
        %get3A_585 = tpu.vector_load %arg12[%get3A_584] {strides = array<i32>} : memref<256xf32, #tpu.memory_space<vmem>>, vector<16xf32>,
        %get3A_586 = vector.shape_cast %get3A_585 : vector<16xf32> to vector<16xf32>
        %swap3A_587 = arith.index_cast %scan3A_313 : i32 to index
        %swap3A_588 = arith.constant 912 : index
        %swap3A_589 = tpu.vector_load %arg8[%swap3A_587, %swap3A_588] {strides = array<i32>} : memref<30x1024xf32, #tpu.memory_space<vmem>>, vector<1x16xf32>,
        %swap3A_590 = vector.shape_cast %swap3A_589 : vector<1x16xf32> to vector<16xf32>
        %swap3A_591 = vector.shape_cast %get3A_586 : vector<16xf32> to vector<1x16xf32>
        tpu.vector_store %arg8[%swap3A_587, %swap3A_588], %swap3A_591 {strides = array<i32>} : memref<30x1024xf32, #tpu.memory_space<vmem>>, vector<1x16xf32>,
        %mul3A_592 = arith.constant 256 : i32
        %mul3A_593 = arith.muli %scan3A_313, %mul3A_592 : i32
        %add3A_594 = arith.constant 160 : i32
        %add3A_595 = arith.addi %mul3A_593, %add3A_594 : i32
        %get3A_596 = arith.index_cast %add3A_595 : i32 to index
        %get3A_597 = tpu.vector_load %arg10[%get3A_596] {strides = array<i32>} : memref<7680xf32, #tpu.memory_space<vmem>>, vector<16xf32>,
        %get3A_598 = vector.shape_cast %get3A_597 : vector<16xf32> to vector<16xf32>
        %swap3A_599 = arith.index_cast %scan3A_313 : i32 to index
        %swap3A_600 = arith.constant 416 : index
        %swap3A_601 = tpu.vector_load %arg8[%swap3A_599, %swap3A_600] {strides = array<i32>} : memref<30x1024xf32, #tpu.memory_space<vmem>>, vector<1x16xf32>,
        %swap3A_602 = vector.shape_cast %swap3A_601 : vector<1x16xf32> to vector<16xf32>
        %swap3A_603 = vector.shape_cast %get3A_598 : vector<16xf32> to vector<1x16xf32>
        tpu.vector_store %arg8[%swap3A_599, %swap3A_600], %swap3A_603 {strides = array<i32>} : memref<30x1024xf32, #tpu.memory_space<vmem>>, vector<1x16xf32>,
        %get3A_604 = arith.constant 160 : index
        %get3A_605 = tpu.vector_load %arg11[%get3A_604] {strides = array<i32>} : memref<256xf32, #tpu.memory_space<vmem>>, vector<16xf32>,
        %get3A_606 = vector.shape_cast %get3A_605 : vector<16xf32> to vector<16xf32>
        %swap3A_607 = arith.index_cast %scan3A_313 : i32 to index
        %swap3A_608 = arith.constant 672 : index
        %swap3A_609 = tpu.vector_load %arg8[%swap3A_607, %swap3A_608] {strides = array<i32>} : memref<30x1024xf32, #tpu.memory_space<vmem>>, vector<1x16xf32>,
        %swap3A_610 = vector.shape_cast %swap3A_609 : vector<1x16xf32> to vector<16xf32>
        %swap3A_611 = vector.shape_cast %get3A_606 : vector<16xf32> to vector<1x16xf32>
        tpu.vector_store %arg8[%swap3A_607, %swap3A_608], %swap3A_611 {strides = array<i32>} : memref<30x1024xf32, #tpu.memory_space<vmem>>, vector<1x16xf32>,
        %get3A_612 = arith.constant 160 : index
        %get3A_613 = tpu.vector_load %arg12[%get3A_612] {strides = array<i32>} : memref<256xf32, #tpu.memory_space<vmem>>, vector<16xf32>,
        %get3A_614 = vector.shape_cast %get3A_613 : vector<16xf32> to vector<16xf32>
        %swap3A_615 = arith.index_cast %scan3A_313 : i32 to index
        %swap3A_616 = arith.constant 928 : index
        %swap3A_617 = tpu.vector_load %arg8[%swap3A_615, %swap3A_616] {strides = array<i32>} : memref<30x1024xf32, #tpu.memory_space<vmem>>, vector<1x16xf32>,
        %swap3A_618 = vector.shape_cast %swap3A_617 : vector<1x16xf32> to vector<16xf32>
        %swap3A_619 = vector.shape_cast %get3A_614 : vector<16xf32> to vector<1x16xf32>
        tpu.vector_store %arg8[%swap3A_615, %swap3A_616], %swap3A_619 {strides = array<i32>} : memref<30x1024xf32, #tpu.memory_space<vmem>>, vector<1x16xf32>,
        %mul3A_620 = arith.constant 256 : i32
        %mul3A_621 = arith.muli %scan3A_313, %mul3A_620 : i32
        %add3A_622 = arith.constant 176 : i32
        %add3A_623 = arith.addi %mul3A_621, %add3A_622 : i32
        %get3A_624 = arith.index_cast %add3A_623 : i32 to index
        %get3A_625 = tpu.vector_load %arg10[%get3A_624] {strides = array<i32>} : memref<7680xf32, #tpu.memory_space<vmem>>, vector<16xf32>,
        %get3A_626 = vector.shape_cast %get3A_625 : vector<16xf32> to vector<16xf32>
        %swap3A_627 = arith.index_cast %scan3A_313 : i32 to index
        %swap3A_628 = arith.constant 432 : index
        %swap3A_629 = tpu.vector_load %arg8[%swap3A_627, %swap3A_628] {strides = array<i32>} : memref<30x1024xf32, #tpu.memory_space<vmem>>, vector<1x16xf32>,
        %swap3A_630 = vector.shape_cast %swap3A_629 : vector<1x16xf32> to vector<16xf32>
        %swap3A_631 = vector.shape_cast %get3A_626 : vector<16xf32> to vector<1x16xf32>
        tpu.vector_store %arg8[%swap3A_627, %swap3A_628], %swap3A_631 {strides = array<i32>} : memref<30x1024xf32, #tpu.memory_space<vmem>>, vector<1x16xf32>,
        %get3A_632 = arith.constant 176 : index
        %get3A_633 = tpu.vector_load %arg11[%get3A_632] {strides = array<i32>} : memref<256xf32, #tpu.memory_space<vmem>>, vector<16xf32>,
        %get3A_634 = vector.shape_cast %get3A_633 : vector<16xf32> to vector<16xf32>
        %swap3A_635 = arith.index_cast %scan3A_313 : i32 to index
        %swap3A_636 = arith.constant 688 : index
        %swap3A_637 = tpu.vector_load %arg8[%swap3A_635, %swap3A_636] {strides = array<i32>} : memref<30x1024xf32, #tpu.memory_space<vmem>>, vector<1x16xf32>,
        %swap3A_638 = vector.shape_cast %swap3A_637 : vector<1x16xf32> to vector<16xf32>
        %swap3A_639 = vector.shape_cast %get3A_634 : vector<16xf32> to vector<1x16xf32>
        tpu.vector_store %arg8[%swap3A_635, %swap3A_636], %swap3A_639 {strides = array<i32>} : memref<30x1024xf32, #tpu.memory_space<vmem>>, vector<1x16xf32>,
        %get3A_640 = arith.constant 176 : index
        %get3A_641 = tpu.vector_load %arg12[%get3A_640] {strides = array<i32>} : memref<256xf32, #tpu.memory_space<vmem>>, vector<16xf32>,
        %get3A_642 = vector.shape_cast %get3A_641 : vector<16xf32> to vector<16xf32>
        %swap3A_643 = arith.index_cast %scan3A_313 : i32 to index
        %swap3A_644 = arith.constant 944 : index
        %swap3A_645 = tpu.vector_load %arg8[%swap3A_643, %swap3A_644] {strides = array<i32>} : memref<30x1024xf32, #tpu.memory_space<vmem>>, vector<1x16xf32>,
        %swap3A_646 = vector.shape_cast %swap3A_645 : vector<1x16xf32> to vector<16xf32>
        %swap3A_647 = vector.shape_cast %get3A_642 : vector<16xf32> to vector<1x16xf32>
        tpu.vector_store %arg8[%swap3A_643, %swap3A_644], %swap3A_647 {strides = array<i32>} : memref<30x1024xf32, #tpu.memory_space<vmem>>, vector<1x16xf32>,
        %mul3A_648 = arith.constant 256 : i32
        %mul3A_649 = arith.muli %scan3A_313, %mul3A_648 : i32
        %add3A_650 = arith.constant 192 : i32
        %add3A_651 = arith.addi %mul3A_649, %add3A_650 : i32
        %get3A_652 = arith.index_cast %add3A_651 : i32 to index
        %get3A_653 = tpu.vector_load %arg10[%get3A_652] {strides = array<i32>} : memref<7680xf32, #tpu.memory_space<vmem>>, vector<16xf32>,
        %get3A_654 = vector.shape_cast %get3A_653 : vector<16xf32> to vector<16xf32>
        %swap3A_655 = arith.index_cast %scan3A_313 : i32 to index
        %swap3A_656 = arith.constant 448 : index
        %swap3A_657 = tpu.vector_load %arg8[%swap3A_655, %swap3A_656] {strides = array<i32>} : memref<30x1024xf32, #tpu.memory_space<vmem>>, vector<1x16xf32>,
        %swap3A_658 = vector.shape_cast %swap3A_657 : vector<1x16xf32> to vector<16xf32>
        %swap3A_659 = vector.shape_cast %get3A_654 : vector<16xf32> to vector<1x16xf32>
        tpu.vector_store %arg8[%swap3A_655, %swap3A_656], %swap3A_659 {strides = array<i32>} : memref<30x1024xf32, #tpu.memory_space<vmem>>, vector<1x16xf32>,
        %get3A_660 = arith.constant 192 : index
        %get3A_661 = tpu.vector_load %arg11[%get3A_660] {strides = array<i32>} : memref<256xf32, #tpu.memory_space<vmem>>, vector<16xf32>,
        %get3A_662 = vector.shape_cast %get3A_661 : vector<16xf32> to vector<16xf32>
        %swap3A_663 = arith.index_cast %scan3A_313 : i32 to index
        %swap3A_664 = arith.constant 704 : index
        %swap3A_665 = tpu.vector_load %arg8[%swap3A_663, %swap3A_664] {strides = array<i32>} : memref<30x1024xf32, #tpu.memory_space<vmem>>, vector<1x16xf32>,
        %swap3A_666 = vector.shape_cast %swap3A_665 : vector<1x16xf32> to vector<16xf32>
        %swap3A_667 = vector.shape_cast %get3A_662 : vector<16xf32> to vector<1x16xf32>
        tpu.vector_store %arg8[%swap3A_663, %swap3A_664], %swap3A_667 {strides = array<i32>} : memref<30x1024xf32, #tpu.memory_space<vmem>>, vector<1x16xf32>,
        %get3A_668 = arith.constant 192 : index
        %get3A_669 = tpu.vector_load %arg12[%get3A_668] {strides = array<i32>} : memref<256xf32, #tpu.memory_space<vmem>>, vector<16xf32>,
        %get3A_670 = vector.shape_cast %get3A_669 : vector<16xf32> to vector<16xf32>
        %swap3A_671 = arith.index_cast %scan3A_313 : i32 to index
        %swap3A_672 = arith.constant 960 : index
        %swap3A_673 = tpu.vector_load %arg8[%swap3A_671, %swap3A_672] {strides = array<i32>} : memref<30x1024xf32, #tpu.memory_space<vmem>>, vector<1x16xf32>,
        %swap3A_674 = vector.shape_cast %swap3A_673 : vector<1x16xf32> to vector<16xf32>
        %swap3A_675 = vector.shape_cast %get3A_670 : vector<16xf32> to vector<1x16xf32>
        tpu.vector_store %arg8[%swap3A_671, %swap3A_672], %swap3A_675 {strides = array<i32>} : memref<30x1024xf32, #tpu.memory_space<vmem>>, vector<1x16xf32>,
        %mul3A_676 = arith.constant 256 : i32
        %mul3A_677 = arith.muli %scan3A_313, %mul3A_676 : i32
        %add3A_678 = arith.constant 208 : i32
        %add3A_679 = arith.addi %mul3A_677, %add3A_678 : i32
        %get3A_680 = arith.index_cast %add3A_679 : i32 to index
        %get3A_681 = tpu.vector_load %arg10[%get3A_680] {strides = array<i32>} : memref<7680xf32, #tpu.memory_space<vmem>>, vector<16xf32>,
        %get3A_682 = vector.shape_cast %get3A_681 : vector<16xf32> to vector<16xf32>
        %swap3A_683 = arith.index_cast %scan3A_313 : i32 to index
        %swap3A_684 = arith.constant 464 : index
        %swap3A_685 = tpu.vector_load %arg8[%swap3A_683, %swap3A_684] {strides = array<i32>} : memref<30x1024xf32, #tpu.memory_space<vmem>>, vector<1x16xf32>,
        %swap3A_686 = vector.shape_cast %swap3A_685 : vector<1x16xf32> to vector<16xf32>
        %swap3A_687 = vector.shape_cast %get3A_682 : vector<16xf32> to vector<1x16xf32>
        tpu.vector_store %arg8[%swap3A_683, %swap3A_684], %swap3A_687 {strides = array<i32>} : memref<30x1024xf32, #tpu.memory_space<vmem>>, vector<1x16xf32>,
        %get3A_688 = arith.constant 208 : index
        %get3A_689 = tpu.vector_load %arg11[%get3A_688] {strides = array<i32>} : memref<256xf32, #tpu.memory_space<vmem>>, vector<16xf32>,
        %get3A_690 = vector.shape_cast %get3A_689 : vector<16xf32> to vector<16xf32>
        %swap3A_691 = arith.index_cast %scan3A_313 : i32 to index
        %swap3A_692 = arith.constant 720 : index
        %swap3A_693 = tpu.vector_load %arg8[%swap3A_691, %swap3A_692] {strides = array<i32>} : memref<30x1024xf32, #tpu.memory_space<vmem>>, vector<1x16xf32>,
        %swap3A_694 = vector.shape_cast %swap3A_693 : vector<1x16xf32> to vector<16xf32>
        %swap3A_695 = vector.shape_cast %get3A_690 : vector<16xf32> to vector<1x16xf32>
        tpu.vector_store %arg8[%swap3A_691, %swap3A_692], %swap3A_695 {strides = array<i32>} : memref<30x1024xf32, #tpu.memory_space<vmem>>, vector<1x16xf32>,
        %get3A_696 = arith.constant 208 : index
        %get3A_697 = tpu.vector_load %arg12[%get3A_696] {strides = array<i32>} : memref<256xf32, #tpu.memory_space<vmem>>, vector<16xf32>,
        %get3A_698 = vector.shape_cast %get3A_697 : vector<16xf32> to vector<16xf32>
        %swap3A_699 = arith.index_cast %scan3A_313 : i32 to index
        %swap3A_700 = arith.constant 976 : index
        %swap3A_701 = tpu.vector_load %arg8[%swap3A_699, %swap3A_700] {strides = array<i32>} : memref<30x1024xf32, #tpu.memory_space<vmem>>, vector<1x16xf32>,
        %swap3A_702 = vector.shape_cast %swap3A_701 : vector<1x16xf32> to vector<16xf32>
        %swap3A_703 = vector.shape_cast %get3A_698 : vector<16xf32> to vector<1x16xf32>
        tpu.vector_store %arg8[%swap3A_699, %swap3A_700], %swap3A_703 {strides = array<i32>} : memref<30x1024xf32, #tpu.memory_space<vmem>>, vector<1x16xf32>,
        %mul3A_704 = arith.constant 256 : i32
        %mul3A_705 = arith.muli %scan3A_313, %mul3A_704 : i32
        %add3A_706 = arith.constant 224 : i32
        %add3A_707 = arith.addi %mul3A_705, %add3A_706 : i32
        %get3A_708 = arith.index_cast %add3A_707 : i32 to index
        %get3A_709 = tpu.vector_load %arg10[%get3A_708] {strides = array<i32>} : memref<7680xf32, #tpu.memory_space<vmem>>, vector<16xf32>,
        %get3A_710 = vector.shape_cast %get3A_709 : vector<16xf32> to vector<16xf32>
        %swap3A_711 = arith.index_cast %scan3A_313 : i32 to index
        %swap3A_712 = arith.constant 480 : index
        %swap3A_713 = tpu.vector_load %arg8[%swap3A_711, %swap3A_712] {strides = array<i32>} : memref<30x1024xf32, #tpu.memory_space<vmem>>, vector<1x16xf32>,
        %swap3A_714 = vector.shape_cast %swap3A_713 : vector<1x16xf32> to vector<16xf32>
        %swap3A_715 = vector.shape_cast %get3A_710 : vector<16xf32> to vector<1x16xf32>
        tpu.vector_store %arg8[%swap3A_711, %swap3A_712], %swap3A_715 {strides = array<i32>} : memref<30x1024xf32, #tpu.memory_space<vmem>>, vector<1x16xf32>,
        %get3A_716 = arith.constant 224 : index
        %get3A_717 = tpu.vector_load %arg11[%get3A_716] {strides = array<i32>} : memref<256xf32, #tpu.memory_space<vmem>>, vector<16xf32>,
        %get3A_718 = vector.shape_cast %get3A_717 : vector<16xf32> to vector<16xf32>
        %swap3A_719 = arith.index_cast %scan3A_313 : i32 to index
        %swap3A_720 = arith.constant 736 : index
        %swap3A_721 = tpu.vector_load %arg8[%swap3A_719, %swap3A_720] {strides = array<i32>} : memref<30x1024xf32, #tpu.memory_space<vmem>>, vector<1x16xf32>,
        %swap3A_722 = vector.shape_cast %swap3A_721 : vector<1x16xf32> to vector<16xf32>
        %swap3A_723 = vector.shape_cast %get3A_718 : vector<16xf32> to vector<1x16xf32>
        tpu.vector_store %arg8[%swap3A_719, %swap3A_720], %swap3A_723 {strides = array<i32>} : memref<30x1024xf32, #tpu.memory_space<vmem>>, vector<1x16xf32>,
        %get3A_724 = arith.constant 224 : index
        %get3A_725 = tpu.vector_load %arg12[%get3A_724] {strides = array<i32>} : memref<256xf32, #tpu.memory_space<vmem>>, vector<16xf32>,
        %get3A_726 = vector.shape_cast %get3A_725 : vector<16xf32> to vector<16xf32>
        %swap3A_727 = arith.index_cast %scan3A_313 : i32 to index
        %swap3A_728 = arith.constant 992 : index
        %swap3A_729 = tpu.vector_load %arg8[%swap3A_727, %swap3A_728] {strides = array<i32>} : memref<30x1024xf32, #tpu.memory_space<vmem>>, vector<1x16xf32>,
        %swap3A_730 = vector.shape_cast %swap3A_729 : vector<1x16xf32> to vector<16xf32>
        %swap3A_731 = vector.shape_cast %get3A_726 : vector<16xf32> to vector<1x16xf32>
        tpu.vector_store %arg8[%swap3A_727, %swap3A_728], %swap3A_731 {strides = array<i32>} : memref<30x1024xf32, #tpu.memory_space<vmem>>, vector<1x16xf32>,
        %mul3A_732 = arith.constant 256 : i32
        %mul3A_733 = arith.muli %scan3A_313, %mul3A_732 : i32
        %add3A_734 = arith.constant 240 : i32
        %add3A_735 = arith.addi %mul3A_733, %add3A_734 : i32
        %get3A_736 = arith.index_cast %add3A_735 : i32 to index
        %get3A_737 = tpu.vector_load %arg10[%get3A_736] {strides = array<i32>} : memref<7680xf32, #tpu.memory_space<vmem>>, vector<16xf32>,
        %get3A_738 = vector.shape_cast %get3A_737 : vector<16xf32> to vector<16xf32>
        %swap3A_739 = arith.index_cast %scan3A_313 : i32 to index
        %swap3A_740 = arith.constant 496 : index
        %swap3A_741 = tpu.vector_load %arg8[%swap3A_739, %swap3A_740] {strides = array<i32>} : memref<30x1024xf32, #tpu.memory_space<vmem>>, vector<1x16xf32>,
        %swap3A_742 = vector.shape_cast %swap3A_741 : vector<1x16xf32> to vector<16xf32>
        %swap3A_743 = vector.shape_cast %get3A_738 : vector<16xf32> to vector<1x16xf32>
        tpu.vector_store %arg8[%swap3A_739, %swap3A_740], %swap3A_743 {strides = array<i32>} : memref<30x1024xf32, #tpu.memory_space<vmem>>, vector<1x16xf32>,
        %get3A_744 = arith.constant 240 : index
        %get3A_745 = tpu.vector_load %arg11[%get3A_744] {strides = array<i32>} : memref<256xf32, #tpu.memory_space<vmem>>, vector<16xf32>,
        %get3A_746 = vector.shape_cast %get3A_745 : vector<16xf32> to vector<16xf32>
        %swap3A_747 = arith.index_cast %scan3A_313 : i32 to index
        %swap3A_748 = arith.constant 752 : index
        %swap3A_749 = tpu.vector_load %arg8[%swap3A_747, %swap3A_748] {strides = array<i32>} : memref<30x1024xf32, #tpu.memory_space<vmem>>, vector<1x16xf32>,
        %swap3A_750 = vector.shape_cast %swap3A_749 : vector<1x16xf32> to vector<16xf32>
        %swap3A_751 = vector.shape_cast %get3A_746 : vector<16xf32> to vector<1x16xf32>
        tpu.vector_store %arg8[%swap3A_747, %swap3A_748], %swap3A_751 {strides = array<i32>} : memref<30x1024xf32, #tpu.memory_space<vmem>>, vector<1x16xf32>,
        %get3A_752 = arith.constant 240 : index
        %get3A_753 = tpu.vector_load %arg12[%get3A_752] {strides = array<i32>} : memref<256xf32, #tpu.memory_space<vmem>>, vector<16xf32>,
        %get3A_754 = vector.shape_cast %get3A_753 : vector<16xf32> to vector<16xf32>
        %swap3A_755 = arith.index_cast %scan3A_313 : i32 to index
        %swap3A_756 = arith.constant 1008 : index
        %swap3A_757 = tpu.vector_load %arg8[%swap3A_755, %swap3A_756] {strides = array<i32>} : memref<30x1024xf32, #tpu.memory_space<vmem>>, vector<1x16xf32>,
        %swap3A_758 = vector.shape_cast %swap3A_757 : vector<1x16xf32> to vector<16xf32>
        %swap3A_759 = vector.shape_cast %get3A_754 : vector<16xf32> to vector<1x16xf32>
        tpu.vector_store %arg8[%swap3A_755, %swap3A_756], %swap3A_759 {strides = array<i32>} : memref<30x1024xf32, #tpu.memory_space<vmem>>, vector<1x16xf32>,
      }
      %scan3A_92 = arith.constant 30 : i32
      %scan3A_93 = arith.constant 0 : i32
      %scan3A_94 = arith.constant 0 : i32
      %scan3A_95 = arith.constant 16 : i32
      %scan3A_96 = arith.addi %scan3A_94, %scan3A_95 : i32
      %scan3A_97 = arith.constant 1 : i32
      scf.for %scan3A_313 = %scan3A_94 to %scan3A_96 step %scan3A_97  : i32 {
        %mul3A_314 = arith.constant 16 : i32
        %mul3A_315 = arith.muli %scan3A_313, %mul3A_314 : i32
        %add3A_316 = arith.constant 0 : i32
        %add3A_317 = arith.addi %add3A_316, %mul3A_315 : i32
        %get3A = arith.index_cast %add3A_317 : i32 to index
        %get3A_318 = tpu.vector_load %arg9[%get3A] {strides = array<i32>} : memref<2560xf32, #tpu.memory_space<vmem>>, vector<16xf32>,
        %get3A_319 = vector.shape_cast %get3A_318 : vector<16xf32> to vector<16xf32>
        %scan3A_320 = arith.constant 0 : i32
        %scan3A_321 = arith.constant 30 : i32
        %scan3A_322 = arith.addi %scan3A_320, %scan3A_321 : i32
        %scan3A_323 = arith.constant 1 : i32
        scf.for %scan3A_325 = %scan3A_320 to %scan3A_322 step %scan3A_323  : i32 {
          %mul3A_326 = arith.constant 16 : i32
          %mul3A_327 = arith.muli %scan3A_313, %mul3A_326 : i32
          %swap3A = arith.index_cast %scan3A_325 : i32 to index
          %swap3A_328 = arith.index_cast %mul3A_327 : i32 to index
          %swap3A_329 = tpu.vector_load %arg7[%swap3A, %swap3A_328] {strides = array<i32>} : memref<30x1024xf32, #tpu.memory_space<vmem>>, vector<1x16xf32>,
          %swap3A_330 = vector.shape_cast %swap3A_329 : vector<1x16xf32> to vector<16xf32>
          %swap3A_331 = vector.shape_cast %get3A_319 : vector<16xf32> to vector<1x16xf32>
          tpu.vector_store %arg7[%swap3A, %swap3A_328], %swap3A_331 {strides = array<i32>} : memref<30x1024xf32, #tpu.memory_space<vmem>>, vector<1x16xf32>,
        }
        %scan3A_324 = arith.constant 30 : i32
      }
      %scan3A_98 = arith.constant 16 : i32
      %mul3A_99 = arith.constant 30 : i32
      %mul3A_100 = arith.muli %select_n3A, %mul3A_99 : i32
      %add3A_101 = arith.addi %mul3A_100, %mul3A_35 : i32
      %add3A_102 = arith.constant 0 : i32
      %add3A_103 = arith.addi %add3A_101, %add3A_102 : i32
      %dma_start3A = arith.constant 0 : i32
      %dma_start3A_104 = arith.constant 0 : i32
      %dma_start3A_105 = tpu.memref_slice %arg6[%add3A_103, %dma_start3A, %dma_start3A_104] : memref<300x30x1024xf32, #tpu.memory_space<hbm>> -> memref<1x30x1024xf32, #tpu.memory_space<hbm>>
      %dma_start3A_106 = tpu.memref_squeeze %dma_start3A_105 : memref<1x30x1024xf32, #tpu.memory_space<hbm>> -> memref<30x1024xf32, #tpu.memory_space<hbm>>
      %dma_start3A_107 = arith.constant 0 : i32
      %dma_start3A_108 = arith.constant 0 : i32
      %dma_start3A_109 = tpu.memref_slice %arg6[%add3A_103, %dma_start3A_107, %dma_start3A_108] : memref<300x30x1024xf32, #tpu.memory_space<hbm>> -> memref<1x30x1024xf32, #tpu.memory_space<hbm>>
      %dma_start3A_110 = tpu.memref_squeeze %dma_start3A_109 : memref<1x30x1024xf32, #tpu.memory_space<hbm>> -> memref<30x1024xf32, #tpu.memory_space<hbm>>
      tpu.enqueue_dma source(%arg7 : memref<30x1024xf32, #tpu.memory_space<vmem>>) target(%dma_start3A_110 : memref<30x1024xf32, #tpu.memory_space<hbm>>) target_semaphore(%arg13 : memref<!tpu.dma_semaphore, #tpu.memory_space<semaphore_mem>>)
      %scan3A_111 = arith.constant 0 : i32
      %scan3A_112 = arith.constant 0 : i32
      %scan3A_113 = arith.constant 16 : i32
      %scan3A_114 = arith.addi %scan3A_112, %scan3A_113 : i32
      %scan3A_115 = arith.constant 1 : i32
      scf.for %scan3A_313 = %scan3A_112 to %scan3A_114 step %scan3A_115  : i32 {
        %mul3A_314 = arith.constant 16 : i32
        %mul3A_315 = arith.muli %scan3A_313, %mul3A_314 : i32
        %add3A_316 = arith.constant 256 : i32
        %add3A_317 = arith.addi %add3A_316, %mul3A_315 : i32
        %get3A = arith.index_cast %add3A_317 : i32 to index
        %get3A_318 = tpu.vector_load %arg9[%get3A] {strides = array<i32>} : memref<2560xf32, #tpu.memory_space<vmem>>, vector<16xf32>,
        %get3A_319 = vector.shape_cast %get3A_318 : vector<16xf32> to vector<16xf32>
        %scan3A_320 = arith.constant 0 : i32
        %scan3A_321 = arith.constant 30 : i32
        %scan3A_322 = arith.addi %scan3A_320, %scan3A_321 : i32
        %scan3A_323 = arith.constant 1 : i32
        scf.for %scan3A_325 = %scan3A_320 to %scan3A_322 step %scan3A_323  : i32 {
          %mul3A_326 = arith.constant 16 : i32
          %mul3A_327 = arith.muli %scan3A_313, %mul3A_326 : i32
          %swap3A = arith.index_cast %scan3A_325 : i32 to index
          %swap3A_328 = arith.index_cast %mul3A_327 : i32 to index
          %swap3A_329 = tpu.vector_load %arg8[%swap3A, %swap3A_328] {strides = array<i32>} : memref<30x1024xf32, #tpu.memory_space<vmem>>, vector<1x16xf32>,
          %swap3A_330 = vector.shape_cast %swap3A_329 : vector<1x16xf32> to vector<16xf32>
          %swap3A_331 = vector.shape_cast %get3A_319 : vector<16xf32> to vector<1x16xf32>
          tpu.vector_store %arg8[%swap3A, %swap3A_328], %swap3A_331 {strides = array<i32>} : memref<30x1024xf32, #tpu.memory_space<vmem>>, vector<1x16xf32>,
        }
        %scan3A_324 = arith.constant 30 : i32
      }
      %scan3A_116 = arith.constant 16 : i32
      %mul3A_117 = arith.constant 30 : i32
      %mul3A_118 = arith.muli %select_n3A, %mul3A_117 : i32
      %add3A_119 = arith.addi %mul3A_118, %mul3A_35 : i32
      %add3A_120 = arith.constant 1 : i32
      %add3A_121 = arith.addi %add3A_119, %add3A_120 : i32
      %dma_start3A_122 = arith.constant 0 : i32
      %dma_start3A_123 = arith.constant 0 : i32
      %dma_start3A_124 = tpu.memref_slice %arg6[%add3A_121, %dma_start3A_122, %dma_start3A_123] : memref<300x30x1024xf32, #tpu.memory_space<hbm>> -> memref<1x30x1024xf32, #tpu.memory_space<hbm>>
      %dma_start3A_125 = tpu.memref_squeeze %dma_start3A_124 : memref<1x30x1024xf32, #tpu.memory_space<hbm>> -> memref<30x1024xf32, #tpu.memory_space<hbm>>
      %dma_start3A_126 = arith.constant 0 : i32
      %dma_start3A_127 = arith.constant 0 : i32
      %dma_start3A_128 = tpu.memref_slice %arg6[%add3A_121, %dma_start3A_126, %dma_start3A_127] : memref<300x30x1024xf32, #tpu.memory_space<hbm>> -> memref<1x30x1024xf32, #tpu.memory_space<hbm>>
      %dma_start3A_129 = tpu.memref_squeeze %dma_start3A_128 : memref<1x30x1024xf32, #tpu.memory_space<hbm>> -> memref<30x1024xf32, #tpu.memory_space<hbm>>
      tpu.enqueue_dma source(%arg8 : memref<30x1024xf32, #tpu.memory_space<vmem>>) target(%dma_start3A_129 : memref<30x1024xf32, #tpu.memory_space<hbm>>) target_semaphore(%arg14 : memref<!tpu.dma_semaphore, #tpu.memory_space<semaphore_mem>>)
      %dma_wait3A = arith.constant 0 : i32
      %dma_wait3A_130 = arith.constant 0 : i32
      %dma_wait3A_131 = tpu.memref_slice %arg6[%add3A_103, %dma_wait3A, %dma_wait3A_130] : memref<300x30x1024xf32, #tpu.memory_space<hbm>> -> memref<1x30x1024xf32, #tpu.memory_space<hbm>>
      %dma_wait3A_132 = tpu.memref_squeeze %dma_wait3A_131 : memref<1x30x1024xf32, #tpu.memory_space<hbm>> -> memref<30x1024xf32, #tpu.memory_space<hbm>>
      %dma_wait3A_133 = arith.constant 0 : i32
      %dma_wait3A_134 = arith.constant 0 : i32
      %dma_wait3A_135 = tpu.memref_slice %arg6[%add3A_103, %dma_wait3A_133, %dma_wait3A_134] : memref<300x30x1024xf32, #tpu.memory_space<hbm>> -> memref<1x30x1024xf32, #tpu.memory_space<hbm>>
      %dma_wait3A_136 = tpu.memref_squeeze %dma_wait3A_135 : memref<1x30x1024xf32, #tpu.memory_space<hbm>> -> memref<30x1024xf32, #tpu.memory_space<hbm>>
      tpu.wait_dma2 semaphore(%arg13 : memref<!tpu.dma_semaphore, #tpu.memory_space<semaphore_mem>>) src(%arg7 : memref<30x1024xf32, #tpu.memory_space<vmem>>) dst(%dma_wait3A_136 : memref<30x1024xf32, #tpu.memory_space<hbm>>)
      %mul3A_137 = arith.constant 30 : i32
      %mul3A_138 = arith.muli %select_n3A, %mul3A_137 : i32
      %add3A_139 = arith.addi %mul3A_138, %mul3A_35 : i32
      %add3A_140 = arith.constant 2 : i32
      %add3A_141 = arith.addi %add3A_139, %add3A_140 : i32
      %dma_start3A_142 = arith.constant 0 : i32
      %dma_start3A_143 = arith.constant 0 : i32
      %dma_start3A_144 = tpu.memref_slice %arg6[%add3A_141, %dma_start3A_142, %dma_start3A_143] : memref<300x30x1024xf32, #tpu.memory_space<hbm>> -> memref<1x30x1024xf32, #tpu.memory_space<hbm>>
      %dma_start3A_145 = tpu.memref_squeeze %dma_start3A_144 : memref<1x30x1024xf32, #tpu.memory_space<hbm>> -> memref<30x1024xf32, #tpu.memory_space<hbm>>
      %dma_start3A_146 = arith.constant 0 : i32
      %dma_start3A_147 = arith.constant 0 : i32
      %dma_start3A_148 = tpu.memref_slice %arg6[%add3A_141, %dma_start3A_146, %dma_start3A_147] : memref<300x30x1024xf32, #tpu.memory_space<hbm>> -> memref<1x30x1024xf32, #tpu.memory_space<hbm>>
      %dma_start3A_149 = tpu.memref_squeeze %dma_start3A_148 : memref<1x30x1024xf32, #tpu.memory_space<hbm>> -> memref<30x1024xf32, #tpu.memory_space<hbm>>
      tpu.enqueue_dma source(%arg7 : memref<30x1024xf32, #tpu.memory_space<vmem>>) target(%dma_start3A_149 : memref<30x1024xf32, #tpu.memory_space<hbm>>) target_semaphore(%arg13 : memref<!tpu.dma_semaphore, #tpu.memory_space<semaphore_mem>>)
      %dma_wait3A_150 = arith.constant 0 : i32
      %dma_wait3A_151 = arith.constant 0 : i32
      %dma_wait3A_152 = tpu.memref_slice %arg6[%add3A_121, %dma_wait3A_150, %dma_wait3A_151] : memref<300x30x1024xf32, #tpu.memory_space<hbm>> -> memref<1x30x1024xf32, #tpu.memory_space<hbm>>
      %dma_wait3A_153 = tpu.memref_squeeze %dma_wait3A_152 : memref<1x30x1024xf32, #tpu.memory_space<hbm>> -> memref<30x1024xf32, #tpu.memory_space<hbm>>
      %dma_wait3A_154 = arith.constant 0 : i32
      %dma_wait3A_155 = arith.constant 0 : i32
      %dma_wait3A_156 = tpu.memref_slice %arg6[%add3A_121, %dma_wait3A_154, %dma_wait3A_155] : memref<300x30x1024xf32, #tpu.memory_space<hbm>> -> memref<1x30x1024xf32, #tpu.memory_space<hbm>>
      %dma_wait3A_157 = tpu.memref_squeeze %dma_wait3A_156 : memref<1x30x1024xf32, #tpu.memory_space<hbm>> -> memref<30x1024xf32, #tpu.memory_space<hbm>>
      tpu.wait_dma2 semaphore(%arg14 : memref<!tpu.dma_semaphore, #tpu.memory_space<semaphore_mem>>) src(%arg8 : memref<30x1024xf32, #tpu.memory_space<vmem>>) dst(%dma_wait3A_157 : memref<30x1024xf32, #tpu.memory_space<hbm>>)
      %mul3A_158 = arith.constant 30 : i32
      %mul3A_159 = arith.muli %select_n3A, %mul3A_158 : i32
      %add3A_160 = arith.addi %mul3A_159, %mul3A_35 : i32
      %add3A_161 = arith.constant 3 : i32
      %add3A_162 = arith.addi %add3A_160, %add3A_161 : i32
      %dma_start3A_163 = arith.constant 0 : i32
      %dma_start3A_164 = arith.constant 0 : i32
      %dma_start3A_165 = tpu.memref_slice %arg6[%add3A_162, %dma_start3A_163, %dma_start3A_164] : memref<300x30x1024xf32, #tpu.memory_space<hbm>> -> memref<1x30x1024xf32, #tpu.memory_space<hbm>>
      %dma_start3A_166 = tpu.memref_squeeze %dma_start3A_165 : memref<1x30x1024xf32, #tpu.memory_space<hbm>> -> memref<30x1024xf32, #tpu.memory_space<hbm>>
      %dma_start3A_167 = arith.constant 0 : i32
      %dma_start3A_168 = arith.constant 0 : i32
      %dma_start3A_169 = tpu.memref_slice %arg6[%add3A_162, %dma_start3A_167, %dma_start3A_168] : memref<300x30x1024xf32, #tpu.memory_space<hbm>> -> memref<1x30x1024xf32, #tpu.memory_space<hbm>>
      %dma_start3A_170 = tpu.memref_squeeze %dma_start3A_169 : memref<1x30x1024xf32, #tpu.memory_space<hbm>> -> memref<30x1024xf32, #tpu.memory_space<hbm>>
      tpu.enqueue_dma source(%arg8 : memref<30x1024xf32, #tpu.memory_space<vmem>>) target(%dma_start3A_170 : memref<30x1024xf32, #tpu.memory_space<hbm>>) target_semaphore(%arg14 : memref<!tpu.dma_semaphore, #tpu.memory_space<semaphore_mem>>)
      %dma_wait3A_171 = arith.constant 0 : i32
      %dma_wait3A_172 = arith.constant 0 : i32
      %dma_wait3A_173 = tpu.memref_slice %arg6[%add3A_141, %dma_wait3A_171, %dma_wait3A_172] : memref<300x30x1024xf32, #tpu.memory_space<hbm>> -> memref<1x30x1024xf32, #tpu.memory_space<hbm>>
      %dma_wait3A_174 = tpu.memref_squeeze %dma_wait3A_173 : memref<1x30x1024xf32, #tpu.memory_space<hbm>> -> memref<30x1024xf32, #tpu.memory_space<hbm>>
      %dma_wait3A_175 = arith.constant 0 : i32
      %dma_wait3A_176 = arith.constant 0 : i32
      %dma_wait3A_177 = tpu.memref_slice %arg6[%add3A_141, %dma_wait3A_175, %dma_wait3A_176] : memref<300x30x1024xf32, #tpu.memory_space<hbm>> -> memref<1x30x1024xf32, #tpu.memory_space<hbm>>
      %dma_wait3A_178 = tpu.memref_squeeze %dma_wait3A_177 : memref<1x30x1024xf32, #tpu.memory_space<hbm>> -> memref<30x1024xf32, #tpu.memory_space<hbm>>
      tpu.wait_dma2 semaphore(%arg13 : memref<!tpu.dma_semaphore, #tpu.memory_space<semaphore_mem>>) src(%arg7 : memref<30x1024xf32, #tpu.memory_space<vmem>>) dst(%dma_wait3A_178 : memref<30x1024xf32, #tpu.memory_space<hbm>>)
      %mul3A_179 = arith.constant 30 : i32
      %mul3A_180 = arith.muli %select_n3A, %mul3A_179 : i32
      %add3A_181 = arith.addi %mul3A_180, %mul3A_35 : i32
      %add3A_182 = arith.constant 4 : i32
      %add3A_183 = arith.addi %add3A_181, %add3A_182 : i32
      %dma_start3A_184 = arith.constant 0 : i32
      %dma_start3A_185 = arith.constant 0 : i32
      %dma_start3A_186 = tpu.memref_slice %arg6[%add3A_183, %dma_start3A_184, %dma_start3A_185] : memref<300x30x1024xf32, #tpu.memory_space<hbm>> -> memref<1x30x1024xf32, #tpu.memory_space<hbm>>
      %dma_start3A_187 = tpu.memref_squeeze %dma_start3A_186 : memref<1x30x1024xf32, #tpu.memory_space<hbm>> -> memref<30x1024xf32, #tpu.memory_space<hbm>>
      %dma_start3A_188 = arith.constant 0 : i32
      %dma_start3A_189 = arith.constant 0 : i32
      %dma_start3A_190 = tpu.memref_slice %arg6[%add3A_183, %dma_start3A_188, %dma_start3A_189] : memref<300x30x1024xf32, #tpu.memory_space<hbm>> -> memref<1x30x1024xf32, #tpu.memory_space<hbm>>
      %dma_start3A_191 = tpu.memref_squeeze %dma_start3A_190 : memref<1x30x1024xf32, #tpu.memory_space<hbm>> -> memref<30x1024xf32, #tpu.memory_space<hbm>>
      tpu.enqueue_dma source(%arg7 : memref<30x1024xf32, #tpu.memory_space<vmem>>) target(%dma_start3A_191 : memref<30x1024xf32, #tpu.memory_space<hbm>>) target_semaphore(%arg13 : memref<!tpu.dma_semaphore, #tpu.memory_space<semaphore_mem>>)
      %dma_wait3A_192 = arith.constant 0 : i32
      %dma_wait3A_193 = arith.constant 0 : i32
      %dma_wait3A_194 = tpu.memref_slice %arg6[%add3A_162, %dma_wait3A_192, %dma_wait3A_193] : memref<300x30x1024xf32, #tpu.memory_space<hbm>> -> memref<1x30x1024xf32, #tpu.memory_space<hbm>>
      %dma_wait3A_195 = tpu.memref_squeeze %dma_wait3A_194 : memref<1x30x1024xf32, #tpu.memory_space<hbm>> -> memref<30x1024xf32, #tpu.memory_space<hbm>>
      %dma_wait3A_196 = arith.constant 0 : i32
      %dma_wait3A_197 = arith.constant 0 : i32
      %dma_wait3A_198 = tpu.memref_slice %arg6[%add3A_162, %dma_wait3A_196, %dma_wait3A_197] : memref<300x30x1024xf32, #tpu.memory_space<hbm>> -> memref<1x30x1024xf32, #tpu.memory_space<hbm>>
      %dma_wait3A_199 = tpu.memref_squeeze %dma_wait3A_198 : memref<1x30x1024xf32, #tpu.memory_space<hbm>> -> memref<30x1024xf32, #tpu.memory_space<hbm>>
      tpu.wait_dma2 semaphore(%arg14 : memref<!tpu.dma_semaphore, #tpu.memory_space<semaphore_mem>>) src(%arg8 : memref<30x1024xf32, #tpu.memory_space<vmem>>) dst(%dma_wait3A_199 : memref<30x1024xf32, #tpu.memory_space<hbm>>)
      %mul3A_200 = arith.constant 30 : i32
      %mul3A_201 = arith.muli %select_n3A, %mul3A_200 : i32
      %add3A_202 = arith.addi %mul3A_201, %mul3A_35 : i32
      %add3A_203 = arith.constant 5 : i32
      %add3A_204 = arith.addi %add3A_202, %add3A_203 : i32
      %dma_start3A_205 = arith.constant 0 : i32
      %dma_start3A_206 = arith.constant 0 : i32
      %dma_start3A_207 = tpu.memref_slice %arg6[%add3A_204, %dma_start3A_205, %dma_start3A_206] : memref<300x30x1024xf32, #tpu.memory_space<hbm>> -> memref<1x30x1024xf32, #tpu.memory_space<hbm>>
      %dma_start3A_208 = tpu.memref_squeeze %dma_start3A_207 : memref<1x30x1024xf32, #tpu.memory_space<hbm>> -> memref<30x1024xf32, #tpu.memory_space<hbm>>
      %dma_start3A_209 = arith.constant 0 : i32
      %dma_start3A_210 = arith.constant 0 : i32
      %dma_start3A_211 = tpu.memref_slice %arg6[%add3A_204, %dma_start3A_209, %dma_start3A_210] : memref<300x30x1024xf32, #tpu.memory_space<hbm>> -> memref<1x30x1024xf32, #tpu.memory_space<hbm>>
      %dma_start3A_212 = tpu.memref_squeeze %dma_start3A_211 : memref<1x30x1024xf32, #tpu.memory_space<hbm>> -> memref<30x1024xf32, #tpu.memory_space<hbm>>
      tpu.enqueue_dma source(%arg8 : memref<30x1024xf32, #tpu.memory_space<vmem>>) target(%dma_start3A_212 : memref<30x1024xf32, #tpu.memory_space<hbm>>) target_semaphore(%arg14 : memref<!tpu.dma_semaphore, #tpu.memory_space<semaphore_mem>>)
      %dma_wait3A_213 = arith.constant 0 : i32
      %dma_wait3A_214 = arith.constant 0 : i32
      %dma_wait3A_215 = tpu.memref_slice %arg6[%add3A_183, %dma_wait3A_213, %dma_wait3A_214] : memref<300x30x1024xf32, #tpu.memory_space<hbm>> -> memref<1x30x1024xf32, #tpu.memory_space<hbm>>
      %dma_wait3A_216 = tpu.memref_squeeze %dma_wait3A_215 : memref<1x30x1024xf32, #tpu.memory_space<hbm>> -> memref<30x1024xf32, #tpu.memory_space<hbm>>
      %dma_wait3A_217 = arith.constant 0 : i32
      %dma_wait3A_218 = arith.constant 0 : i32
      %dma_wait3A_219 = tpu.memref_slice %arg6[%add3A_183, %dma_wait3A_217, %dma_wait3A_218] : memref<300x30x1024xf32, #tpu.memory_space<hbm>> -> memref<1x30x1024xf32, #tpu.memory_space<hbm>>
      %dma_wait3A_220 = tpu.memref_squeeze %dma_wait3A_219 : memref<1x30x1024xf32, #tpu.memory_space<hbm>> -> memref<30x1024xf32, #tpu.memory_space<hbm>>
      tpu.wait_dma2 semaphore(%arg13 : memref<!tpu.dma_semaphore, #tpu.memory_space<semaphore_mem>>) src(%arg7 : memref<30x1024xf32, #tpu.memory_space<vmem>>) dst(%dma_wait3A_220 : memref<30x1024xf32, #tpu.memory_space<hbm>>)
      %mul3A_221 = arith.constant 30 : i32
      %mul3A_222 = arith.muli %select_n3A, %mul3A_221 : i32
      %add3A_223 = arith.addi %mul3A_222, %mul3A_35 : i32
      %add3A_224 = arith.constant 6 : i32
      %add3A_225 = arith.addi %add3A_223, %add3A_224 : i32
      %dma_start3A_226 = arith.constant 0 : i32
      %dma_start3A_227 = arith.constant 0 : i32
      %dma_start3A_228 = tpu.memref_slice %arg6[%add3A_225, %dma_start3A_226, %dma_start3A_227] : memref<300x30x1024xf32, #tpu.memory_space<hbm>> -> memref<1x30x1024xf32, #tpu.memory_space<hbm>>
      %dma_start3A_229 = tpu.memref_squeeze %dma_start3A_228 : memref<1x30x1024xf32, #tpu.memory_space<hbm>> -> memref<30x1024xf32, #tpu.memory_space<hbm>>
      %dma_start3A_230 = arith.constant 0 : i32
      %dma_start3A_231 = arith.constant 0 : i32
      %dma_start3A_232 = tpu.memref_slice %arg6[%add3A_225, %dma_start3A_230, %dma_start3A_231] : memref<300x30x1024xf32, #tpu.memory_space<hbm>> -> memref<1x30x1024xf32, #tpu.memory_space<hbm>>
      %dma_start3A_233 = tpu.memref_squeeze %dma_start3A_232 : memref<1x30x1024xf32, #tpu.memory_space<hbm>> -> memref<30x1024xf32, #tpu.memory_space<hbm>>
      tpu.enqueue_dma source(%arg7 : memref<30x1024xf32, #tpu.memory_space<vmem>>) target(%dma_start3A_233 : memref<30x1024xf32, #tpu.memory_space<hbm>>) target_semaphore(%arg13 : memref<!tpu.dma_semaphore, #tpu.memory_space<semaphore_mem>>)
      %dma_wait3A_234 = arith.constant 0 : i32
      %dma_wait3A_235 = arith.constant 0 : i32
      %dma_wait3A_236 = tpu.memref_slice %arg6[%add3A_204, %dma_wait3A_234, %dma_wait3A_235] : memref<300x30x1024xf32, #tpu.memory_space<hbm>> -> memref<1x30x1024xf32, #tpu.memory_space<hbm>>
      %dma_wait3A_237 = tpu.memref_squeeze %dma_wait3A_236 : memref<1x30x1024xf32, #tpu.memory_space<hbm>> -> memref<30x1024xf32, #tpu.memory_space<hbm>>
      %dma_wait3A_238 = arith.constant 0 : i32
      %dma_wait3A_239 = arith.constant 0 : i32
      %dma_wait3A_240 = tpu.memref_slice %arg6[%add3A_204, %dma_wait3A_238, %dma_wait3A_239] : memref<300x30x1024xf32, #tpu.memory_space<hbm>> -> memref<1x30x1024xf32, #tpu.memory_space<hbm>>
      %dma_wait3A_241 = tpu.memref_squeeze %dma_wait3A_240 : memref<1x30x1024xf32, #tpu.memory_space<hbm>> -> memref<30x1024xf32, #tpu.memory_space<hbm>>
      tpu.wait_dma2 semaphore(%arg14 : memref<!tpu.dma_semaphore, #tpu.memory_space<semaphore_mem>>) src(%arg8 : memref<30x1024xf32, #tpu.memory_space<vmem>>) dst(%dma_wait3A_241 : memref<30x1024xf32, #tpu.memory_space<hbm>>)
      %mul3A_242 = arith.constant 30 : i32
      %mul3A_243 = arith.muli %select_n3A, %mul3A_242 : i32
      %add3A_244 = arith.addi %mul3A_243, %mul3A_35 : i32
      %add3A_245 = arith.constant 7 : i32
      %add3A_246 = arith.addi %add3A_244, %add3A_245 : i32
      %dma_start3A_247 = arith.constant 0 : i32
      %dma_start3A_248 = arith.constant 0 : i32
      %dma_start3A_249 = tpu.memref_slice %arg6[%add3A_246, %dma_start3A_247, %dma_start3A_248] : memref<300x30x1024xf32, #tpu.memory_space<hbm>> -> memref<1x30x1024xf32, #tpu.memory_space<hbm>>
      %dma_start3A_250 = tpu.memref_squeeze %dma_start3A_249 : memref<1x30x1024xf32, #tpu.memory_space<hbm>> -> memref<30x1024xf32, #tpu.memory_space<hbm>>
      %dma_start3A_251 = arith.constant 0 : i32
      %dma_start3A_252 = arith.constant 0 : i32
      %dma_start3A_253 = tpu.memref_slice %arg6[%add3A_246, %dma_start3A_251, %dma_start3A_252] : memref<300x30x1024xf32, #tpu.memory_space<hbm>> -> memref<1x30x1024xf32, #tpu.memory_space<hbm>>
      %dma_start3A_254 = tpu.memref_squeeze %dma_start3A_253 : memref<1x30x1024xf32, #tpu.memory_space<hbm>> -> memref<30x1024xf32, #tpu.memory_space<hbm>>
      tpu.enqueue_dma source(%arg8 : memref<30x1024xf32, #tpu.memory_space<vmem>>) target(%dma_start3A_254 : memref<30x1024xf32, #tpu.memory_space<hbm>>) target_semaphore(%arg14 : memref<!tpu.dma_semaphore, #tpu.memory_space<semaphore_mem>>)
      %dma_wait3A_255 = arith.constant 0 : i32
      %dma_wait3A_256 = arith.constant 0 : i32
      %dma_wait3A_257 = tpu.memref_slice %arg6[%add3A_225, %dma_wait3A_255, %dma_wait3A_256] : memref<300x30x1024xf32, #tpu.memory_space<hbm>> -> memref<1x30x1024xf32, #tpu.memory_space<hbm>>
      %dma_wait3A_258 = tpu.memref_squeeze %dma_wait3A_257 : memref<1x30x1024xf32, #tpu.memory_space<hbm>> -> memref<30x1024xf32, #tpu.memory_space<hbm>>
      %dma_wait3A_259 = arith.constant 0 : i32
      %dma_wait3A_260 = arith.constant 0 : i32
      %dma_wait3A_261 = tpu.memref_slice %arg6[%add3A_225, %dma_wait3A_259, %dma_wait3A_260] : memref<300x30x1024xf32, #tpu.memory_space<hbm>> -> memref<1x30x1024xf32, #tpu.memory_space<hbm>>
      %dma_wait3A_262 = tpu.memref_squeeze %dma_wait3A_261 : memref<1x30x1024xf32, #tpu.memory_space<hbm>> -> memref<30x1024xf32, #tpu.memory_space<hbm>>
      tpu.wait_dma2 semaphore(%arg13 : memref<!tpu.dma_semaphore, #tpu.memory_space<semaphore_mem>>) src(%arg7 : memref<30x1024xf32, #tpu.memory_space<vmem>>) dst(%dma_wait3A_262 : memref<30x1024xf32, #tpu.memory_space<hbm>>)
      %mul3A_263 = arith.constant 30 : i32
      %mul3A_264 = arith.muli %select_n3A, %mul3A_263 : i32
      %add3A_265 = arith.addi %mul3A_264, %mul3A_35 : i32
      %add3A_266 = arith.constant 8 : i32
      %add3A_267 = arith.addi %add3A_265, %add3A_266 : i32
      %dma_start3A_268 = arith.constant 0 : i32
      %dma_start3A_269 = arith.constant 0 : i32
      %dma_start3A_270 = tpu.memref_slice %arg6[%add3A_267, %dma_start3A_268, %dma_start3A_269] : memref<300x30x1024xf32, #tpu.memory_space<hbm>> -> memref<1x30x1024xf32, #tpu.memory_space<hbm>>
      %dma_start3A_271 = tpu.memref_squeeze %dma_start3A_270 : memref<1x30x1024xf32, #tpu.memory_space<hbm>> -> memref<30x1024xf32, #tpu.memory_space<hbm>>
      %dma_start3A_272 = arith.constant 0 : i32
      %dma_start3A_273 = arith.constant 0 : i32
      %dma_start3A_274 = tpu.memref_slice %arg6[%add3A_267, %dma_start3A_272, %dma_start3A_273] : memref<300x30x1024xf32, #tpu.memory_space<hbm>> -> memref<1x30x1024xf32, #tpu.memory_space<hbm>>
      %dma_start3A_275 = tpu.memref_squeeze %dma_start3A_274 : memref<1x30x1024xf32, #tpu.memory_space<hbm>> -> memref<30x1024xf32, #tpu.memory_space<hbm>>
      tpu.enqueue_dma source(%arg7 : memref<30x1024xf32, #tpu.memory_space<vmem>>) target(%dma_start3A_275 : memref<30x1024xf32, #tpu.memory_space<hbm>>) target_semaphore(%arg13 : memref<!tpu.dma_semaphore, #tpu.memory_space<semaphore_mem>>)
      %dma_wait3A_276 = arith.constant 0 : i32
      %dma_wait3A_277 = arith.constant 0 : i32
      %dma_wait3A_278 = tpu.memref_slice %arg6[%add3A_246, %dma_wait3A_276, %dma_wait3A_277] : memref<300x30x1024xf32, #tpu.memory_space<hbm>> -> memref<1x30x1024xf32, #tpu.memory_space<hbm>>
      %dma_wait3A_279 = tpu.memref_squeeze %dma_wait3A_278 : memref<1x30x1024xf32, #tpu.memory_space<hbm>> -> memref<30x1024xf32, #tpu.memory_space<hbm>>
      %dma_wait3A_280 = arith.constant 0 : i32
      %dma_wait3A_281 = arith.constant 0 : i32
      %dma_wait3A_282 = tpu.memref_slice %arg6[%add3A_246, %dma_wait3A_280, %dma_wait3A_281] : memref<300x30x1024xf32, #tpu.memory_space<hbm>> -> memref<1x30x1024xf32, #tpu.memory_space<hbm>>
      %dma_wait3A_283 = tpu.memref_squeeze %dma_wait3A_282 : memref<1x30x1024xf32, #tpu.memory_space<hbm>> -> memref<30x1024xf32, #tpu.memory_space<hbm>>
      tpu.wait_dma2 semaphore(%arg14 : memref<!tpu.dma_semaphore, #tpu.memory_space<semaphore_mem>>) src(%arg8 : memref<30x1024xf32, #tpu.memory_space<vmem>>) dst(%dma_wait3A_283 : memref<30x1024xf32, #tpu.memory_space<hbm>>)
      %mul3A_284 = arith.constant 30 : i32
      %mul3A_285 = arith.muli %select_n3A, %mul3A_284 : i32
      %add3A_286 = arith.addi %mul3A_285, %mul3A_35 : i32
      %add3A_287 = arith.constant 9 : i32
      %add3A_288 = arith.addi %add3A_286, %add3A_287 : i32
      %dma_start3A_289 = arith.constant 0 : i32
      %dma_start3A_290 = arith.constant 0 : i32
      %dma_start3A_291 = tpu.memref_slice %arg6[%add3A_288, %dma_start3A_289, %dma_start3A_290] : memref<300x30x1024xf32, #tpu.memory_space<hbm>> -> memref<1x30x1024xf32, #tpu.memory_space<hbm>>
      %dma_start3A_292 = tpu.memref_squeeze %dma_start3A_291 : memref<1x30x1024xf32, #tpu.memory_space<hbm>> -> memref<30x1024xf32, #tpu.memory_space<hbm>>
      %dma_start3A_293 = arith.constant 0 : i32
      %dma_start3A_294 = arith.constant 0 : i32
      %dma_start3A_295 = tpu.memref_slice %arg6[%add3A_288, %dma_start3A_293, %dma_start3A_294] : memref<300x30x1024xf32, #tpu.memory_space<hbm>> -> memref<1x30x1024xf32, #tpu.memory_space<hbm>>
      %dma_start3A_296 = tpu.memref_squeeze %dma_start3A_295 : memref<1x30x1024xf32, #tpu.memory_space<hbm>> -> memref<30x1024xf32, #tpu.memory_space<hbm>>
      tpu.enqueue_dma source(%arg8 : memref<30x1024xf32, #tpu.memory_space<vmem>>) target(%dma_start3A_296 : memref<30x1024xf32, #tpu.memory_space<hbm>>) target_semaphore(%arg14 : memref<!tpu.dma_semaphore, #tpu.memory_space<semaphore_mem>>)
      %dma_wait3A_297 = arith.constant 0 : i32
      %dma_wait3A_298 = arith.constant 0 : i32
      %dma_wait3A_299 = tpu.memref_slice %arg6[%add3A_267, %dma_wait3A_297, %dma_wait3A_298] : memref<300x30x1024xf32, #tpu.memory_space<hbm>> -> memref<1x30x1024xf32, #tpu.memory_space<hbm>>
      %dma_wait3A_300 = tpu.memref_squeeze %dma_wait3A_299 : memref<1x30x1024xf32, #tpu.memory_space<hbm>> -> memref<30x1024xf32, #tpu.memory_space<hbm>>
      %dma_wait3A_301 = arith.constant 0 : i32
      %dma_wait3A_302 = arith.constant 0 : i32
      %dma_wait3A_303 = tpu.memref_slice %arg6[%add3A_267, %dma_wait3A_301, %dma_wait3A_302] : memref<300x30x1024xf32, #tpu.memory_space<hbm>> -> memref<1x30x1024xf32, #tpu.memory_space<hbm>>
      %dma_wait3A_304 = tpu.memref_squeeze %dma_wait3A_303 : memref<1x30x1024xf32, #tpu.memory_space<hbm>> -> memref<30x1024xf32, #tpu.memory_space<hbm>>
      tpu.wait_dma2 semaphore(%arg13 : memref<!tpu.dma_semaphore, #tpu.memory_space<semaphore_mem>>) src(%arg7 : memref<30x1024xf32, #tpu.memory_space<vmem>>) dst(%dma_wait3A_304 : memref<30x1024xf32, #tpu.memory_space<hbm>>)
      %dma_wait3A_305 = arith.constant 0 : i32
      %dma_wait3A_306 = arith.constant 0 : i32
      %dma_wait3A_307 = tpu.memref_slice %arg6[%add3A_288, %dma_wait3A_305, %dma_wait3A_306] : memref<300x30x1024xf32, #tpu.memory_space<hbm>> -> memref<1x30x1024xf32, #tpu.memory_space<hbm>>
      %dma_wait3A_308 = tpu.memref_squeeze %dma_wait3A_307 : memref<1x30x1024xf32, #tpu.memory_space<hbm>> -> memref<30x1024xf32, #tpu.memory_space<hbm>>
      %dma_wait3A_309 = arith.constant 0 : i32
      %dma_wait3A_310 = arith.constant 0 : i32
      %dma_wait3A_311 = tpu.memref_slice %arg6[%add3A_288, %dma_wait3A_309, %dma_wait3A_310] : memref<300x30x1024xf32, #tpu.memory_space<hbm>> -> memref<1x30x1024xf32, #tpu.memory_space<hbm>>
      %dma_wait3A_312 = tpu.memref_squeeze %dma_wait3A_311 : memref<1x30x1024xf32, #tpu.memory_space<hbm>> -> memref<30x1024xf32, #tpu.memory_space<hbm>>
      tpu.wait_dma2 semaphore(%arg14 : memref<!tpu.dma_semaphore, #tpu.memory_space<semaphore_mem>>) src(%arg8 : memref<30x1024xf32, #tpu.memory_space<vmem>>) dst(%dma_wait3A_312 : memref<30x1024xf32, #tpu.memory_space<hbm>>)
    } else {
    }
    return
  }
}

</mosaic_0001>

<sc_bundles>
// kernel: kernel.3.cloned.1.call-start
scs
__scs_entry_jumppad:
0x0: {  	(pc) =	sbr.rel $0x88, $3  }
0x1: {  	(tag) =	ssettag $0x0;
	lr =	simm.s32 $0x1  }
0x2: {  	[smem:$0x3F9D] =	sst lr;
	_ =	strace $0xD0000000  }
0x3: {  	_ = 	snop  }
0x4: {  	_ = 	snop  }
0x5: {  	_ = 	snop  }
0x6: {  	_ = 	snop  }
0x7: {  	_ = 	snop  }
__scs_overlays_trampoline_lowered:
0x8: {  	[smem:$0x3FAC] =	sst s0  }
0x9: {  	[smem:$0x3FAD] =	sst s1  }
0xa: {  	[smem:$0x3FAE] =	sst s2  }
0xb: {  	[smem:$0x3FAF] =	sst s3  }
0xc: {  	[smem:$0x3FB0] =	sst s4  }
0xd: {  	[smem:$0x3FB1] =	sst s5  }
0xe: {  	[smem:$0x3FB2] =	sst s6  }
0xf: {  	[smem:$0x3FB3] =	sst s7  }
0x10: {  	[smem:$0x3FB4] =	sst s8  }
0x11: {  	[smem:$0x3FB5] =	sst s9;
	s0 =	simm.s32 @!p0 $0x0  }
0x12: {  	s1 =	sld [smem:$0x3F9B];
	s0 =	simm.s32 @p0 $0x1  }
0x13: {  	[smem:$0x3FB6] =	sst s0;
	s0 =	simm.s32 @!p1 $0x0  }
0x14: {  	s2 =	sld [smem:$0x3F9A];
	s0 =	simm.s32 @p1 $0x1  }
0x15: {  	[smem:$0x3FB7] =	sst s0;
	s0 =	simm.s32 @!p2 $0x0  }
0x16: {  	s3 =	sld [smem:$0x3FDB];
	s0 =	simm.s32 @p2 $0x1  }
0x17: {  	s4 =	simm.s32 $0x1BF5;
	[smem:$0x3FB9] =	sst s0  }
0x18: {  	s0 =	sld [smem:$0x3F9C];
	_ =	swait.ge [sflag:s4], $0x0  }
0x19: {  	s7 =	sld [smem:$0x3F9D]  }
0x1a: {  	s8 =	sadd.s32 $0xFFFFE003, lr  }
0x1b: {  	s9 =	sadd.s32 $0xFFFFFEF7, lr;
	s5 =	simm.s32 $0xFFFFFFFF;
	p2 =	slt.u32 s8, $0xFFFFF086  }
0x1c: {  	p1 =	slt.u32 s9, $0xF7A;
	s5 =	simm.s32 @!p2 $0x0  }
0x1d: {  	s5 =	simm.s32 @p1 $0x1;
	p0 =	seq.s32 s7, s2  }
0x1e: {  	s7 =	smul.u32 @!p0 $0xF7A, s2;
	p2 =	seq.s32 @!p0 s5, $0x0  }
0x1f: {  	s9 =	smul.u32 $0xF7A, s1;
	s8 =	simm.s32 @!p0 $0x1BF5;
	p2 =	por !p2, p0  }
0x20: {  	[sflag:s8] =	ssyncset.s32 @!p0 $0xFFFFF086;
	s6 =	sadd.s32 @!p0 s3, s7;
	s7 =	simm.s32 @!p0 $0x108  }
0x21: {  	s3 =	sadd.s32 s3, s9;
	s6 =	sadd.s32 @!p0 $0x88, s6;
	s7 =	simm.s32 @p2 $0x1082  }
0x22: {  	[simem:s7], [sflag:s8] =	dma.local @!p0 [hbm:s6], $0xF7A  }
0x23: {  	s9 =	sor.u32 $0xD0000000, s2;
	s6 =	simm.s32 $0x108;
	_ =	swait.ge @!p0 [sflag:s8], $0x0  }
0x24: {  	s3 =	sadd.s32 $0x88, s3;
	s6 =	simm.s32 @!p1 $0x1082;
	[sflag:s4] =	ssyncset.s32 $0xFFFFF086  }
0x25: {  	[simem:s6], [sflag:s4] =	dma.local [hbm:s3], $0xF7A  }
0x26: {  	[smem:$0x3F9D] =	sst s1;
	(tag) =	ssettag s2;
	_ =	strace s9  }
0x27: {  	s1 =	sld [smem:$0x3FAD]  }
0x28: {  	s2 =	sld [smem:$0x3FAE]  }
0x29: {  	s4 =	sld [smem:$0x3FB0]  }
0x2a: {  	p0 =	seq.s32 s5, $0x0;
	s5 =	sld [smem:$0x3FB1]  }
0x2b: {  	s6 =	sld [smem:$0x3FB2]  }
0x2c: {  	s7 =	sld [smem:$0x3FB3]  }
0x2d: {  	s3 =	simm.s32 $0x108;
	s8 =	sld [smem:$0x3FB4]  }
0x2e: {  	s3 =	simm.s32 @!p0 $0x1082;
	s9 =	sld [smem:$0x3FB5]  }
0x2f: {  	lr =	sadd.s32 s0, s3;
	s0 =	sld [smem:$0x3FAC]  }
0x30: {  	s3 =	sld [smem:$0x3FAF]  }
0x31: {  	[smem:$0x3FB8] =	sst s10  }
0x32: {  	s10 =	sld [smem:$0x3FB6];
	_ =	sdelay $0x3  }
0x33: {  	p0 =	seq.s32 s10, $0x1;
	s10 =	sld [smem:$0x3FB8];
	_ =	sdelay $0x3  }
0x34: {  	[smem:$0x3FB8] =	sst s10  }
0x35: {  	s10 =	sld [smem:$0x3FB7];
	_ =	sdelay $0x3  }
0x36: {  	p1 =	seq.s32 s10, $0x1;
	s10 =	sld [smem:$0x3FB8];
	_ =	sdelay $0x3  }
0x37: {  	[smem:$0x3FB8] =	sst s10  }
0x38: {  	s10 =	sld [smem:$0x3FB9]  }
0x39: {  	_ = 	snop;
	(pc) =	sbr.ind lr, $3  }
0x3a: {  	_ = 	snop  }
0x3b: {  	_ = 	snop  }
0x3c: {  	p2 =	seq.s32 s10, $0x1;
	s10 =	sld [smem:$0x3FB8]  }
0x3d: {  	_ =	shalt  }
0x3e: {  	_ =	shalt  }
0x3f: {  	_ =	shalt  }
0x40: {  	_ =	shalt  }
0x41: {  	_ =	shalt  }
0x42: {  	_ =	shalt  }
0x43: {  	_ =	shalt  }
0x44: {  	_ =	shalt  }
0x45: {  	_ =	shalt  }
0x46: {  	_ =	shalt  }
0x47: {  	_ =	shalt  }
0x48: {  	_ =	shalt  }
0x49: {  	_ =	shalt  }
0x4a: {  	_ =	shalt  }
0x4b: {  	_ =	shalt  }
0x4c: {  	_ =	shalt  }
0x4d: {  	_ =	shalt  }
0x4e: {  	_ =	shalt  }
0x4f: {  	_ =	shalt  }
0x50: {  	_ =	shalt  }
0x51: {  	_ =	shalt  }
0x52: {  	_ =	shalt  }
0x53: {  	_ =	shalt  }
0x54: {  	_ =	shalt  }
0x55: {  	_ =	shalt  }
0x56: {  	_ =	shalt  }
0x57: {  	_ =	shalt  }
0x58: {  	_ =	shalt  }
0x59: {  	_ =	shalt  }
0x5a: {  	_ =	shalt  }
0x5b: {  	_ =	shalt  }
0x5c: {  	_ =	shalt  }
0x5d: {  	_ =	shalt  }
0x5e: {  	_ =	shalt  }
0x5f: {  	_ =	shalt  }
0x60: {  	_ =	shalt  }
0x61: {  	_ =	shalt  }
0x62: {  	_ =	shalt  }
0x63: {  	_ =	shalt  }
0x64: {  	_ =	shalt  }
0x65: {  	_ =	shalt  }
0x66: {  	_ =	shalt  }
0x67: {  	_ =	shalt  }
0x68: {  	_ =	shalt  }
0x69: {  	_ =	shalt  }
0x6a: {  	_ =	shalt  }
0x6b: {  	_ =	shalt  }
0x6c: {  	_ =	shalt  }
0x6d: {  	_ =	shalt  }
0x6e: {  	_ =	shalt  }
0x6f: {  	_ =	shalt  }
0x70: {  	_ =	shalt  }
0x71: {  	_ =	shalt  }
0x72: {  	_ =	shalt  }
0x73: {  	_ =	shalt  }
0x74: {  	_ =	shalt  }
0x75: {  	_ =	shalt  }
0x76: {  	_ =	shalt  }
0x77: {  	_ =	shalt  }
0x78: {  	_ =	shalt  }
0x79: {  	_ =	shalt  }
0x7a: {  	_ =	shalt  }
0x7b: {  	_ =	shalt  }
0x7c: {  	_ =	shalt  }
0x7d: {  	_ =	shalt  }
0x7e: {  	_ =	shalt  }
0x7f: {  	_ =	shalt  }
0x80: {  	_ =	shalt  }
0x81: {  	_ =	shalt  }
0x82: {  	_ =	shalt  }
0x83: {  	_ =	shalt  }
0x84: {  	_ =	shalt  }
0x85: {  	_ =	shalt  }
0x86: {  	_ =	shalt  }
0x87: {  	_ =	shalt  }
.Lfunc_end0:
.L_simem_size_0:
called_computation_lowered:
.L_overlay_start_0:
0x88: {  	s2 =	sld [smem:$0x3FD9]  }
0x89: {  	s3 =	sld [smem:$0x3FFE];
	_ =	sdelay $0x1  }
0x8a: {  	s1 =	srdreg.scid  }
0x8b: {  	s0 =	sand.u32 $0x1, s1  }
0x8c: {  	s17 =	sshll.u32 s0, $0xA;
	s2 =	sadd.s32 s3, s2  }
0x8d: {  	s2 =	sadd.s32 s2, s17  }
0x8e: {  	[smem:$0x3FC4] =	sst s2  }
0x8f: {  	_ = 	snop  }
0x90: {  	s2 =	sld [smem:$0x3FD0];
	(tm) =	ssettm $0x1  }
0x91: {  	s18 =	sld [smem:$0x3FFB];
	_ =	sdelay $0x3  }
0x92: {  	_ =	strace s18  }
0x93: {  	s3 =	sld [smem:$0x3FFC];
	_ =	sdelay $0x3  }
0x94: {  	_ =	strace s3  }
0x95: {  	s3 =	sld [smem:$0x3FFD];
	_ =	sdelay $0x3  }
0x96: {  	_ =	strace s3  }
0x97: {  	_ =	strace $0x8FFFFFFF  }
0x98: {  	s19 =	sld [smem:$0x3FDB];
	_ =	sdelay $0x1  }
0x99: {  	s4 =	simm.s32 $_scs_section_size  }
0x9a: {  	s5 =	simm.s32 $_size__tile_overlayer_lowered;
	s6 =	simm.s32 $_tile_overlayer_lowered  }
0x9b: {  	s22 =	simm.s32 $0x1BFF;
	s21 =	sshll.u32 s6, $0x1;
	s3 =	sadd.s32 s4, s19  }
0x9c: {  	s7 =	simm.s32 $0x0;
	s20 =	sshll.u32 s5, $0x1;
	s5 =	sadd.s32 s21, s3  }
0x9d: {  	[timem:s7], [sflag:s22] =	dma.local [hbm:s5], s20  }
0x9e: {  	_ =	swait.ge [sflag:s22], s20  }
0x9f: {  	s4 =	ssub.s32 $0x0, s20;
	[sflag:s22] =	ssyncset.done $0x0  }
0xa0: {  	[sflag:s22] =	ssyncadd.s32 s4;
	_ =	sdelay $0x1  }
0xa1: {  	s23 =	simm.s32 $0x1B8B  }
0xa2: {  	_ =	swait.ge [sflag:s23], $0x1  }
0xa3: {  	[sflag:s23] =	ssyncset.done $0x0  }
0xa4: {  	s25 =	simm.s32 $0x1B8E;
	s24 =	sld [smem:$0x3FFE];
	[sflag:s23] =	ssyncadd.s32 $0xFFFFFFFF  }
0xa5: {  	s26 =	simm.s32 $execute0_lowered;
	[smem:$0x3FD2] =	sst s25  }
0xa6: {  	s5 =	sshll.u32 s26, $0x1;
	_ =	strace $0x80000046;
	[dreg:$0x1] =	wrdreg $0xFFFFFFFF  }
0xa7: {  	s28 =	simm.s32 $_size_execute0_lowered;
	s3 =	sadd.s32 s3, s5;
	[dreg:$0x0] =	wrdreg $0x0  }
0xa8: {  	s5 =	sshll.u32 s28, $0x1;
	[dreg:$0x2] =	wrdreg s3  }
0xa9: {  	[dreg:$0x3] =	wrdreg s5  }
0xaa: {  	[dreg:$0x4] =	wrdreg $0xC0  }
0xab: {  	_ =	task [dreg:s7], $0x5FFFF  }
0xac: {  	[dreg:$0x1] =	wrdreg $0xFFFFFFFF  }
0xad: {  	[dreg:$0x0] =	wrdreg $0x60  }
0xae: {  	[dreg:$0x2] =	wrdreg s24  }
0xaf: {  	[dreg:$0x3] =	wrdreg s2  }
0xb0: {  	[dreg:$0x4] =	wrdreg $0x9  }
0xb1: {  	_ =	task.clear_ibuf [dreg:s7], $0x5FFFF;
	_ =	strace $0x90000046  }
0xb2: {  	s29 =	simm.s32 $0x9;
	_ =	strace $0x80000048  }
0xb3: {  	_ =	swait.ge [sflag:s29], $0x1  }
0xb4: {  	[sflag:s29] =	ssyncadd.s32 $0xFFFFFFFF  }
0xb5: {  	_ =	strace $0x90000048  }
0xb6: {  	_ =	sfence  }
0xb7: {  	s30 =	sld [smem:$0x0];
	_ =	sdelay $0x2  }
0xb8: {  	s31 =	sshll.u32 s1, $0xD;
	s1 =	sshrl.u32 s1, $0x2  }
0xb9: {  	s3 =	sand.u32 $0x4000, s31;
	s1 =	sadd.s32 s1, s30  }
0xba: {  	s0 =	sor.u32 s3, s0;
	s1 =	sshll.u32 s1, $0x11  }
0xbb: {  	s0 =	sor.u32 s1, s0  }
0xbc: {  	s0 =	sadd.s32 $0x8F2B, s0  }
0xbd: {  	[sflag:s0] =	ssyncadd.remote.s32 $0x1  }
0xbe: {  	_ =	sfence.sel $0xFFFF  }
0xbf: {  	[dreg:$0x0] =	wrdreg $0xFFFFFFFF;
	(pc) =	sbr.abs _section_cstart, $3  }
0xc0: {  	[dreg:$0x1] =	wrdreg $0xFFFFFFFF  }
0xc1: {  	_ =	task.clear_ibuf [dreg:s7], $0x2FFFF;
	_ =	strace $0x9FFFFFFF  }
0xc2: {  	(tm) =	ssettm $0x7FFFFFFF  }
0xc3: {  	_ =	shalt  }
tec
execute0_lowered:
.L_overlay_start_1:
0x0: {  	(tag) =	ssettag $0x1  }
0x1: {  	s3 =	stileid.u32  }
0x2: {  	p0 =	seq.s32 s3, $0xF  }
.Ltmp0:
0x3: {  	_ = 	snop;
	(pc) =	sbr.rel @p0 .LBB2_15-.Ltmp0, $4  }
0x4: {  	_ = 	snop  }
0x5: {  	s1 =	rddreg [dreg:$0x0];
	s2 =	simm.s32 $0x0  }
0x6: {  	[smem:$0x7FF] =	sst s2  }
0x7: {  	s0 =	rddreg [dreg:$0x1];
	_ =	strace $0x80000047  }
0x8: {  	s3 =	srdreg.scid;
	s10 =	stileid.u32  }
0x9: {  	s3 =	sand.u32 $0x1, s3;
	s4 =	sshll.u32 s10, $0x1  }
0xa: {  	s4 =	sor.u32 s3, s4  }
0xb: {  	s5 =	smul.u32 $0x56, s4;
	_ =	sdelay $0x1  }
0xc: {  	s8 =	sadd.s32 $0x800, s1;
	s11 =	sadd.s32 $0xC00, s1;
	s6 =	sshrl.u32 s5, $0x8  }
0xd: {  	s30 =	simm.s32 $0x0;
	s7 =	smul.u32 $0x3, s6;
	s9 =	sand.u32 $0x1, s6  }
0xe: {  	s15 =	smul.u32 $0x56, s10;
	p0 =	slt.u32 s4, $0x3;
	p1 =	seq.s32 s9, $0x1  }
0xf: {  	[dreg:$0x3] =	wrdreg s11;
	s4 =	ssub.s32 s4, s7;
	p0 =	por !p0, !p1  }
0x10: {  	s16 =	sand.u32 $0xFF, s4;
	p0 =	por !p0, !p0;
	s4 =	simm.s32 $0x1  }
0x11: {  	s6 =	smul.u32 $0x1E, s6;
	s7 =	sshrl.u32 s15, $0x8;
	s4 =	simm.s32 @!p0 $0x0  }
0x12: {  	s5 =	sshrl.u32 s5, $0x3;
	s17 =	smul.u32 $0xA, s16;
	s4 =	ssub.s32 s7, s4  }
0x13: {  	s26 =	ssub.s32 $0x2, s3;
	s5 =	sand.u32 $0x20, s5;
	s7 =	sshll.u32 s4, $0x5  }
0x14: {  	s5 =	sadd.s32 s5, s1;
	s6 =	sadd.s32 s17, s6;
	s7 =	sand.u32 $0x1FFFFFE0, s7  }
0x15: {  	s5 =	sadd.s32 $0x400, s5;
	s6 =	sshll.u32 s6, $0xC;
	s18 =	sadd.s32 s7, s1  }
0x16: {  	[dreg:$0x4] =	wrdreg s5;
	s6 =	sadd.s32 s0, s6;
	s19 =	sadd.s32 $0x600, s18  }
0x17: {  	s31 =	sshrl.u32 s26, $0x1;
	s20 =	sadd.s32 $0x1000, s6;
	[dreg:$0x5] =	wrdreg s19  }
0x18: {  	s28 =	smul.u32 $0x140, s16;
	s21 =	sadd.s32 $0x2000, s6;
	[dreg:$0x6] =	wrdreg s20  }
0x19: {  	s4 =	simm.s32 $0x1;
	s22 =	sadd.s32 $0x3000, s6;
	[dreg:$0x7] =	wrdreg s21  }
0x1a: {  	s17 =	sadd.s32 s8, s28;
	s23 =	sadd.s32 $0x4000, s6;
	[dreg:$0x8] =	wrdreg s22  }
0x1b: {  	s0 =	ssub.s32 s26, s31;
	s24 =	sadd.s32 $0x5000, s6;
	[dreg:$0x9] =	wrdreg s23  }
0x1c: {  	s26 =	simm.s32 $0x0;
	s25 =	sadd.s32 $0x6000, s6;
	[dreg:$0xa] =	wrdreg s24  }
0x1d: {  	s29 =	sadd.s32 $0x7000, s6;
	s15 =	sadd.s32 $0x8000, s6;
	[dreg:$0xb] =	wrdreg s25  }
0x1e: {  	s16 =	sadd.s32 $0x9000, s6;
	s18 =	smax.u32 s0, $0x1;
	[dreg:$0xc] =	wrdreg s29  }
0x1f: {  	s20 =	simm.s32 $0x3;
	s24 =	simm.s32 $0x8000;
	s25 =	simm.s32 $0x2  }
.LBB2_2:
0x20: {  	s28 =	simm.s32 $0x0;
	s0 =	simm.s32 $0x10000  }
0x21: {  	[tilespmem:s0], [sflag:$0x3] =	stream.linear.gather [hbm4b:s17+s28], $0xA00, $0x38;
	[tilespmem:$0x12A00] =	vst v63  }
0x22: {  	_ =	swait.ge [sflag:s20], $0xA00  }
0x23: {  	[sflag:s20] =	ssyncset.done $0x0  }
0x24: {  	s1 =	simm.s32 $0x10A00;
	s11 =	rddreg [dreg:$0x3];
	[sflag:s20] =	ssyncadd.s32 $0xFFFFF600  }
0x25: {  	[tilespmem:s1], [sflag:$0x3] =	stream.linear.gather [hbm4b:s11+s28], $0x1E00, $0x38;
	[tilespmem:$0x12A00] =	vst v63  }
0x26: {  	_ =	swait.ge [sflag:s20], $0x1E00  }
0x27: {  	[sflag:s20] =	ssyncset.done $0x0  }
0x28: {  	s13 =	simm.s32 $0x12800;
	s12 =	rddreg [dreg:$0x4];
	[sflag:s20] =	ssyncadd.s32 $0xFFFFE200  }
0x29: {  	[tilespmem:s13], [sflag:$0x3] =	stream.linear.gather [hbm4b:s12+s28], $0x100, $0x38;
	[tilespmem:$0x12A00] =	vst v63  }
0x2a: {  	_ =	swait.ge [sflag:s20], $0x100  }
0x2b: {  	[sflag:s20] =	ssyncset.done $0x0  }
0x2c: {  	s19 =	simm.s32 $0x12900;
	s14 =	rddreg [dreg:$0x5];
	[sflag:s20] =	ssyncadd.s32 $0xFFFFFF00  }
0x2d: {  	[tilespmem:s19], [sflag:$0x3] =	stream.linear.gather [hbm4b:s14+s28], $0x100, $0x38;
	[tilespmem:$0x12A00] =	vst v63  }
0x2e: {  	_ =	swait.ge [sflag:s20], $0x100  }
0x2f: {  	[sflag:s20] =	ssyncset.done $0x0  }
0x30: {  	[sflag:s20] =	ssyncadd.s32 $0xFFFFFF00  }
0x31: {  	v0 =	vld [tilespmem:s30+$0x10A00];
	_ =	sdelay $0x2  }
0x32: {  	s21 =	sand.u32 $0x6000, s28;
	s22 =	sand.u32 $0x380, s28  }
0x33: {  	s31 =	sor.u32 s22, s21  }
0x34: {  	[tilespmem:s31+$0x800] =	vst v0  }
0x35: {  	v0 =	vld [tilespmem:$0x12800];
	_ =	sdelay $0x4  }
0x36: {  	[tilespmem:s31+$0x1000] =	vst v0  }
0x37: {  	v0 =	vld [tilespmem:$0x12900];
	_ =	sdelay $0x4  }
0x38: {  	[tilespmem:s31+$0x1800] =	vst v0  }
0x39: {  	v0 =	vld [tilespmem:s30+$0x10A10];
	_ =	sdelay $0x4  }
0x3a: {  	[tilespmem:s31+$0x810] =	vst v0  }
0x3b: {  	v0 =	vld [tilespmem:$0x12810];
	_ =	sdelay $0x4  }
0x3c: {  	[tilespmem:s31+$0x1010] =	vst v0  }
0x3d: {  	v0 =	vld [tilespmem:$0x12910];
	_ =	sdelay $0x4  }
0x3e: {  	[tilespmem:s31+$0x1810] =	vst v0  }
0x3f: {  	v0 =	vld [tilespmem:s30+$0x10A20];
	_ =	sdelay $0x4  }
0x40: {  	[tilespmem:s31+$0x820] =	vst v0  }
0x41: {  	v0 =	vld [tilespmem:$0x12820];
	_ =	sdelay $0x4  }
0x42: {  	[tilespmem:s31+$0x1020] =	vst v0  }
0x43: {  	v0 =	vld [tilespmem:$0x12920];
	_ =	sdelay $0x4  }
0x44: {  	[tilespmem:s31+$0x1820] =	vst v0  }
0x45: {  	v0 =	vld [tilespmem:s30+$0x10A30];
	_ =	sdelay $0x4  }
0x46: {  	[tilespmem:s31+$0x830] =	vst v0  }
0x47: {  	v0 =	vld [tilespmem:$0x12830];
	_ =	sdelay $0x4  }
0x48: {  	[tilespmem:s31+$0x1030] =	vst v0  }
0x49: {  	v0 =	vld [tilespmem:$0x12930];
	_ =	sdelay $0x4  }
0x4a: {  	[tilespmem:s31+$0x1830] =	vst v0  }
0x4b: {  	v0 =	vld [tilespmem:s30+$0x10A40];
	_ =	sdelay $0x4  }
0x4c: {  	[tilespmem:s31+$0x840] =	vst v0  }
0x4d: {  	v0 =	vld [tilespmem:$0x12840];
	_ =	sdelay $0x4  }
0x4e: {  	[tilespmem:s31+$0x1040] =	vst v0  }
0x4f: {  	v0 =	vld [tilespmem:$0x12940];
	_ =	sdelay $0x4  }
0x50: {  	[tilespmem:s31+$0x1840] =	vst v0  }
0x51: {  	v0 =	vld [tilespmem:s30+$0x10A50];
	_ =	sdelay $0x4  }
0x52: {  	[tilespmem:s31+$0x850] =	vst v0  }
0x53: {  	v0 =	vld [tilespmem:$0x12850];
	_ =	sdelay $0x4  }
0x54: {  	[tilespmem:s31+$0x1050] =	vst v0  }
0x55: {  	v0 =	vld [tilespmem:$0x12950];
	_ =	sdelay $0x4  }
0x56: {  	[tilespmem:s31+$0x1850] =	vst v0  }
0x57: {  	v0 =	vld [tilespmem:s30+$0x10A60];
	_ =	sdelay $0x4  }
0x58: {  	[tilespmem:s31+$0x860] =	vst v0  }
0x59: {  	v0 =	vld [tilespmem:$0x12860];
	_ =	sdelay $0x4  }
0x5a: {  	[tilespmem:s31+$0x1060] =	vst v0  }
0x5b: {  	v0 =	vld [tilespmem:$0x12960];
	_ =	sdelay $0x4  }
0x5c: {  	[tilespmem:s31+$0x1860] =	vst v0  }
0x5d: {  	v0 =	vld [tilespmem:s30+$0x10A70];
	_ =	sdelay $0x4  }
0x5e: {  	[tilespmem:s31+$0x870] =	vst v0  }
0x5f: {  	v0 =	vld [tilespmem:$0x12870];
	_ =	sdelay $0x4  }
0x60: {  	[tilespmem:s31+$0x1070] =	vst v0  }
0x61: {  	v0 =	vld [tilespmem:$0x12970];
	_ =	sdelay $0x4  }
0x62: {  	[tilespmem:s31+$0x1870] =	vst v0  }
0x63: {  	v0 =	vld [tilespmem:s30+$0x10A80];
	_ =	sdelay $0x4  }
0x64: {  	[tilespmem:s31+$0xC00] =	vst v0  }
0x65: {  	v0 =	vld [tilespmem:$0x12880];
	_ =	sdelay $0x4  }
0x66: {  	[tilespmem:s31+$0x1400] =	vst v0  }
0x67: {  	v0 =	vld [tilespmem:$0x12980]  }
0x68: {  	s23 =	sand.u32 $0x7, s28  }
0x69: {  	s0 =	sshll.u32 s23, $0x7  }
0x6a: {  	s0 =	sadd.s32 $0x0, s0  }
0x6b: {  	s1 =	sor.u32 $0x1C00, s0  }
0x6c: {  	[tilespmem:s1+$0x0] =	vst v0  }
0x6d: {  	v0 =	vld [tilespmem:s30+$0x10A90];
	_ =	sdelay $0x4  }
0x6e: {  	[tilespmem:s31+$0xC10] =	vst v0  }
0x6f: {  	v0 =	vld [tilespmem:$0x12890];
	_ =	sdelay $0x4  }
0x70: {  	[tilespmem:s31+$0x1410] =	vst v0  }
0x71: {  	v0 =	vld [tilespmem:$0x12990];
	_ =	sdelay $0x3  }
0x72: {  	s19 =	sor.u32 $0x1C10, s0  }
0x73: {  	[tilespmem:s19+$0x0] =	vst v0  }
0x74: {  	v0 =	vld [tilespmem:s30+$0x10AA0];
	_ =	sdelay $0x4  }
0x75: {  	[tilespmem:s31+$0xC20] =	vst v0  }
0x76: {  	v0 =	vld [tilespmem:$0x128A0];
	_ =	sdelay $0x4  }
0x77: {  	[tilespmem:s31+$0x1420] =	vst v0  }
0x78: {  	v0 =	vld [tilespmem:$0x129A0];
	_ =	sdelay $0x3  }
0x79: {  	s21 =	sor.u32 $0x1C20, s0  }
0x7a: {  	[tilespmem:s21+$0x0] =	vst v0  }
0x7b: {  	v0 =	vld [tilespmem:s30+$0x10AB0];
	_ =	sdelay $0x4  }
0x7c: {  	[tilespmem:s31+$0xC30] =	vst v0  }
0x7d: {  	v0 =	vld [tilespmem:$0x128B0];
	_ =	sdelay $0x4  }
0x7e: {  	[tilespmem:s31+$0x1430] =	vst v0  }
0x7f: {  	v0 =	vld [tilespmem:$0x129B0];
	_ =	sdelay $0x3  }
0x80: {  	s22 =	sor.u32 $0x1C30, s0  }
0x81: {  	[tilespmem:s22+$0x0] =	vst v0  }
0x82: {  	v0 =	vld [tilespmem:s30+$0x10AC0];
	_ =	sdelay $0x4  }
0x83: {  	[tilespmem:s31+$0xC40] =	vst v0  }
0x84: {  	v0 =	vld [tilespmem:$0x128C0];
	_ =	sdelay $0x4  }
0x85: {  	[tilespmem:s31+$0x1440] =	vst v0  }
0x86: {  	v0 =	vld [tilespmem:$0x129C0];
	_ =	sdelay $0x3  }
0x87: {  	s23 =	sor.u32 $0x1C40, s0  }
0x88: {  	[tilespmem:s23+$0x0] =	vst v0  }
0x89: {  	v0 =	vld [tilespmem:s30+$0x10AD0];
	_ =	sdelay $0x4  }
0x8a: {  	[tilespmem:s31+$0xC50] =	vst v0  }
0x8b: {  	v0 =	vld [tilespmem:$0x128D0];
	_ =	sdelay $0x4  }
0x8c: {  	[tilespmem:s31+$0x1450] =	vst v0  }
0x8d: {  	v0 =	vld [tilespmem:$0x129D0];
	_ =	sdelay $0x3  }
0x8e: {  	s3 =	sor.u32 $0x1C50, s0  }
0x8f: {  	[tilespmem:s3+$0x0] =	vst v0  }
0x90: {  	v0 =	vld [tilespmem:s30+$0x10AE0];
	_ =	sdelay $0x4  }
0x91: {  	[tilespmem:s31+$0xC60] =	vst v0  }
0x92: {  	v0 =	vld [tilespmem:$0x128E0];
	_ =	sdelay $0x4  }
0x93: {  	[tilespmem:s31+$0x1460] =	vst v0  }
0x94: {  	v0 =	vld [tilespmem:$0x129E0];
	_ =	sdelay $0x3  }
0x95: {  	s5 =	sor.u32 $0x1C60, s0  }
0x96: {  	[tilespmem:s5+$0x0] =	vst v0  }
0x97: {  	v0 =	vld [tilespmem:s30+$0x10AF0];
	_ =	sdelay $0x4  }
0x98: {  	[tilespmem:s31+$0xC70] =	vst v0  }
0x99: {  	v0 =	vld [tilespmem:$0x128F0];
	_ =	sdelay $0x4  }
0x9a: {  	[tilespmem:s31+$0x1470] =	vst v0  }
0x9b: {  	v0 =	vld [tilespmem:$0x129F0];
	_ =	sdelay $0x1  }
0x9c: {  	s29 =	simm.s32 $0x400;
	s8 =	simm.s32 $0x1;
	s7 =	simm.s32 $0x400  }
0x9d: {  	s9 =	simm.s32 $0x0;
	s12 =	simm.s32 $0x800;
	s13 =	sor.u32 $0x1C70, s0  }
.LBB2_3:
0x9e: {  	s11 =	sshra.s32 s7, $0x2  }
0x9f: {  	[tilespmem:s13+$0x0] =	vst v0;
	s9 =	sadd.s32 $0x80, s9;
	s13 =	smov.u32 s12;
	s10 =	sadd.s32 $0x400, s12  }
0xa0: {  	p0 =	sne.s32 s12, $0x7400;
	v0 =	vld [tilespmem:s11+$0x10A00];
	_ =	sdelay $0x2  }
0xa1: {  	s12 =	sand.u32 $0x6000, s7;
	s14 =	sand.u32 $0x380, s9  }
0xa2: {  	s12 =	sor.u32 s14, s12  }
0xa3: {  	[tilespmem:s12+$0x800] =	vst v0  }
0xa4: {  	v0 =	vld [tilespmem:$0x12800];
	_ =	sdelay $0x4  }
0xa5: {  	[tilespmem:s12+$0x1000] =	vst v0  }
0xa6: {  	v0 =	vld [tilespmem:$0x12900];
	_ =	sdelay $0x4  }
0xa7: {  	[tilespmem:s12+$0x1800] =	vst v0  }
0xa8: {  	v0 =	vld [tilespmem:s11+$0x10A10];
	_ =	sdelay $0x4  }
0xa9: {  	[tilespmem:s12+$0x810] =	vst v0  }
0xaa: {  	v0 =	vld [tilespmem:$0x12810];
	_ =	sdelay $0x4  }
0xab: {  	[tilespmem:s12+$0x1010] =	vst v0  }
0xac: {  	v0 =	vld [tilespmem:$0x12910];
	_ =	sdelay $0x4  }
0xad: {  	[tilespmem:s12+$0x1810] =	vst v0  }
0xae: {  	v0 =	vld [tilespmem:s11+$0x10A20];
	_ =	sdelay $0x4  }
0xaf: {  	[tilespmem:s12+$0x820] =	vst v0  }
0xb0: {  	v0 =	vld [tilespmem:$0x12820];
	_ =	sdelay $0x4  }
0xb1: {  	[tilespmem:s12+$0x1020] =	vst v0  }
0xb2: {  	v0 =	vld [tilespmem:$0x12920];
	_ =	sdelay $0x4  }
0xb3: {  	[tilespmem:s12+$0x1820] =	vst v0  }
0xb4: {  	v0 =	vld [tilespmem:s11+$0x10A30];
	_ =	sdelay $0x4  }
0xb5: {  	[tilespmem:s12+$0x830] =	vst v0  }
0xb6: {  	v0 =	vld [tilespmem:$0x12830];
	_ =	sdelay $0x4  }
0xb7: {  	[tilespmem:s12+$0x1030] =	vst v0  }
0xb8: {  	v0 =	vld [tilespmem:$0x12930];
	_ =	sdelay $0x4  }
0xb9: {  	[tilespmem:s12+$0x1830] =	vst v0  }
0xba: {  	v0 =	vld [tilespmem:s11+$0x10A40];
	_ =	sdelay $0x4  }
0xbb: {  	[tilespmem:s12+$0x840] =	vst v0  }
0xbc: {  	v0 =	vld [tilespmem:$0x12840];
	_ =	sdelay $0x4  }
0xbd: {  	[tilespmem:s12+$0x1040] =	vst v0  }
0xbe: {  	v0 =	vld [tilespmem:$0x12940];
	_ =	sdelay $0x4  }
0xbf: {  	[tilespmem:s12+$0x1840] =	vst v0  }
0xc0: {  	v0 =	vld [tilespmem:s11+$0x10A50];
	_ =	sdelay $0x4  }
0xc1: {  	[tilespmem:s12+$0x850] =	vst v0  }
0xc2: {  	v0 =	vld [tilespmem:$0x12850];
	_ =	sdelay $0x4  }
0xc3: {  	[tilespmem:s12+$0x1050] =	vst v0  }
0xc4: {  	v0 =	vld [tilespmem:$0x12950];
	_ =	sdelay $0x4  }
0xc5: {  	[tilespmem:s12+$0x1850] =	vst v0  }
0xc6: {  	v0 =	vld [tilespmem:s11+$0x10A60];
	_ =	sdelay $0x4  }
0xc7: {  	[tilespmem:s12+$0x860] =	vst v0  }
0xc8: {  	v0 =	vld [tilespmem:$0x12860];
	_ =	sdelay $0x4  }
0xc9: {  	[tilespmem:s12+$0x1060] =	vst v0  }
0xca: {  	v0 =	vld [tilespmem:$0x12960];
	_ =	sdelay $0x4  }
0xcb: {  	[tilespmem:s12+$0x1860] =	vst v0  }
0xcc: {  	v0 =	vld [tilespmem:s11+$0x10A70];
	_ =	sdelay $0x4  }
0xcd: {  	[tilespmem:s12+$0x870] =	vst v0  }
0xce: {  	v0 =	vld [tilespmem:$0x12870];
	_ =	sdelay $0x4  }
0xcf: {  	[tilespmem:s12+$0x1070] =	vst v0  }
0xd0: {  	v0 =	vld [tilespmem:$0x12970];
	_ =	sdelay $0x4  }
0xd1: {  	[tilespmem:s12+$0x1870] =	vst v0  }
0xd2: {  	v0 =	vld [tilespmem:s11+$0x10A80];
	_ =	sdelay $0x4  }
0xd3: {  	[tilespmem:s12+$0xC00] =	vst v0  }
0xd4: {  	v0 =	vld [tilespmem:$0x12880];
	_ =	sdelay $0x4  }
0xd5: {  	[tilespmem:s12+$0x1400] =	vst v0  }
0xd6: {  	v0 =	vld [tilespmem:$0x12980]  }
0xd7: {  	s14 =	sand.u32 $0x7, s8  }
0xd8: {  	s14 =	sshll.u32 s14, $0x7  }
0xd9: {  	s14 =	sadd.s32 s14, s7;
	s7 =	smov.u32 s13  }
0xda: {  	s13 =	sor.u32 $0x1C00, s14  }
0xdb: {  	[tilespmem:s13+$0x0] =	vst v0  }
0xdc: {  	v0 =	vld [tilespmem:s11+$0x10A90];
	_ =	sdelay $0x4  }
0xdd: {  	[tilespmem:s12+$0xC10] =	vst v0  }
0xde: {  	v0 =	vld [tilespmem:$0x12890];
	_ =	sdelay $0x4  }
0xdf: {  	[tilespmem:s12+$0x1410] =	vst v0  }
0xe0: {  	v0 =	vld [tilespmem:$0x12990];
	_ =	sdelay $0x3  }
0xe1: {  	s13 =	sor.u32 $0x1C10, s14  }
0xe2: {  	[tilespmem:s13+$0x0] =	vst v0  }
0xe3: {  	v0 =	vld [tilespmem:s11+$0x10AA0];
	_ =	sdelay $0x4  }
0xe4: {  	[tilespmem:s12+$0xC20] =	vst v0  }
0xe5: {  	v0 =	vld [tilespmem:$0x128A0];
	_ =	sdelay $0x4  }
0xe6: {  	[tilespmem:s12+$0x1420] =	vst v0  }
0xe7: {  	v0 =	vld [tilespmem:$0x129A0];
	_ =	sdelay $0x3  }
0xe8: {  	s13 =	sor.u32 $0x1C20, s14  }
0xe9: {  	[tilespmem:s13+$0x0] =	vst v0  }
0xea: {  	v0 =	vld [tilespmem:s11+$0x10AB0];
	_ =	sdelay $0x4  }
0xeb: {  	[tilespmem:s12+$0xC30] =	vst v0  }
0xec: {  	v0 =	vld [tilespmem:$0x128B0];
	_ =	sdelay $0x4  }
0xed: {  	[tilespmem:s12+$0x1430] =	vst v0  }
0xee: {  	v0 =	vld [tilespmem:$0x129B0];
	_ =	sdelay $0x3  }
0xef: {  	s13 =	sor.u32 $0x1C30, s14  }
0xf0: {  	[tilespmem:s13+$0x0] =	vst v0  }
0xf1: {  	v0 =	vld [tilespmem:s11+$0x10AC0];
	_ =	sdelay $0x4  }
0xf2: {  	[tilespmem:s12+$0xC40] =	vst v0  }
0xf3: {  	v0 =	vld [tilespmem:$0x128C0];
	_ =	sdelay $0x4  }
0xf4: {  	[tilespmem:s12+$0x1440] =	vst v0  }
0xf5: {  	v0 =	vld [tilespmem:$0x129C0];
	_ =	sdelay $0x3  }
0xf6: {  	s13 =	sor.u32 $0x1C40, s14  }
0xf7: {  	[tilespmem:s13+$0x0] =	vst v0  }
0xf8: {  	v0 =	vld [tilespmem:s11+$0x10AD0];
	_ =	sdelay $0x4  }
0xf9: {  	[tilespmem:s12+$0xC50] =	vst v0  }
0xfa: {  	v0 =	vld [tilespmem:$0x128D0];
	_ =	sdelay $0x4  }
0xfb: {  	[tilespmem:s12+$0x1450] =	vst v0  }
0xfc: {  	v0 =	vld [tilespmem:$0x129D0];
	_ =	sdelay $0x3  }
0xfd: {  	s13 =	sor.u32 $0x1C50, s14  }
0xfe: {  	[tilespmem:s13+$0x0] =	vst v0  }
0xff: {  	v0 =	vld [tilespmem:s11+$0x10AE0];
	_ =	sdelay $0x4  }
0x100: {  	[tilespmem:s12+$0xC60] =	vst v0  }
0x101: {  	v0 =	vld [tilespmem:$0x128E0];
	_ =	sdelay $0x4  }
0x102: {  	[tilespmem:s12+$0x1460] =	vst v0  }
0x103: {  	v0 =	vld [tilespmem:$0x129E0];
	_ =	sdelay $0x3  }
0x104: {  	s13 =	sor.u32 $0x1C60, s14  }
0x105: {  	[tilespmem:s13+$0x0] =	vst v0  }
0x106: {  	v0 =	vld [tilespmem:s11+$0x10AF0];
	_ =	sdelay $0x4  }
0x107: {  	[tilespmem:s12+$0xC70] =	vst v0  }
0x108: {  	v0 =	vld [tilespmem:$0x128F0];
	_ =	sdelay $0x4  }
0x109: {  	[tilespmem:s12+$0x1470] =	vst v0  }
.Ltmp1:
0x10a: {  	v0 =	vld [tilespmem:$0x129F0];
	(pc) =	sbr.rel @p0 .LBB2_3-.Ltmp1, $2  }
0x10b: {  	_ =	sdelay $0x2  }
0x10c: {  	s8 =	sadd.s32 $0x1, s8;
	s13 =	sor.u32 $0x1C70, s14;
	s12 =	smov.u32 s10  }
0x10d: {  	s10 =	sshra.s32 s7, $0x2;
	[tilespmem:s13+$0x0] =	vst v0  }
0x10e: {  	v0 =	vld [tilespmem:s10+$0x10A00];
	_ =	sdelay $0x1  }
0x10f: {  	s9 =	sadd.s32 $0x80, s9  }
0x110: {  	s11 =	sand.u32 $0x6000, s7;
	s9 =	sand.u32 $0x380, s9  }
0x111: {  	s9 =	sor.u32 s9, s11  }
0x112: {  	[tilespmem:s9+$0x800] =	vst v0  }
0x113: {  	v0 =	vld [tilespmem:$0x12800];
	_ =	sdelay $0x4  }
0x114: {  	[tilespmem:s9+$0x1000] =	vst v0  }
0x115: {  	v0 =	vld [tilespmem:$0x12900];
	_ =	sdelay $0x4  }
0x116: {  	[tilespmem:s9+$0x1800] =	vst v0  }
0x117: {  	v0 =	vld [tilespmem:s10+$0x10A10];
	_ =	sdelay $0x4  }
0x118: {  	[tilespmem:s9+$0x810] =	vst v0  }
0x119: {  	v0 =	vld [tilespmem:$0x12810];
	_ =	sdelay $0x4  }
0x11a: {  	[tilespmem:s9+$0x1010] =	vst v0  }
0x11b: {  	v0 =	vld [tilespmem:$0x12910];
	_ =	sdelay $0x4  }
0x11c: {  	[tilespmem:s9+$0x1810] =	vst v0  }
0x11d: {  	v0 =	vld [tilespmem:s10+$0x10A20];
	_ =	sdelay $0x4  }
0x11e: {  	[tilespmem:s9+$0x820] =	vst v0  }
0x11f: {  	v0 =	vld [tilespmem:$0x12820];
	_ =	sdelay $0x4  }
0x120: {  	[tilespmem:s9+$0x1020] =	vst v0  }
0x121: {  	v0 =	vld [tilespmem:$0x12920];
	_ =	sdelay $0x4  }
0x122: {  	[tilespmem:s9+$0x1820] =	vst v0  }
0x123: {  	v0 =	vld [tilespmem:s10+$0x10A30];
	_ =	sdelay $0x4  }
0x124: {  	[tilespmem:s9+$0x830] =	vst v0  }
0x125: {  	v0 =	vld [tilespmem:$0x12830];
	_ =	sdelay $0x4  }
0x126: {  	[tilespmem:s9+$0x1030] =	vst v0  }
0x127: {  	v0 =	vld [tilespmem:$0x12930];
	_ =	sdelay $0x4  }
0x128: {  	[tilespmem:s9+$0x1830] =	vst v0  }
0x129: {  	v0 =	vld [tilespmem:s10+$0x10A40];
	_ =	sdelay $0x4  }
0x12a: {  	[tilespmem:s9+$0x840] =	vst v0  }
0x12b: {  	v0 =	vld [tilespmem:$0x12840];
	_ =	sdelay $0x4  }
0x12c: {  	[tilespmem:s9+$0x1040] =	vst v0  }
0x12d: {  	v0 =	vld [tilespmem:$0x12940];
	_ =	sdelay $0x4  }
0x12e: {  	[tilespmem:s9+$0x1840] =	vst v0  }
0x12f: {  	v0 =	vld [tilespmem:s10+$0x10A50];
	_ =	sdelay $0x4  }
0x130: {  	[tilespmem:s9+$0x850] =	vst v0  }
0x131: {  	v0 =	vld [tilespmem:$0x12850];
	_ =	sdelay $0x4  }
0x132: {  	[tilespmem:s9+$0x1050] =	vst v0  }
0x133: {  	v0 =	vld [tilespmem:$0x12950];
	_ =	sdelay $0x4  }
0x134: {  	[tilespmem:s9+$0x1850] =	vst v0  }
0x135: {  	v0 =	vld [tilespmem:s10+$0x10A60];
	_ =	sdelay $0x4  }
0x136: {  	[tilespmem:s9+$0x860] =	vst v0  }
0x137: {  	v0 =	vld [tilespmem:$0x12860];
	_ =	sdelay $0x4  }
0x138: {  	[tilespmem:s9+$0x1060] =	vst v0  }
0x139: {  	v0 =	vld [tilespmem:$0x12960];
	_ =	sdelay $0x4  }
0x13a: {  	[tilespmem:s9+$0x1860] =	vst v0  }
0x13b: {  	v0 =	vld [tilespmem:s10+$0x10A70];
	_ =	sdelay $0x4  }
0x13c: {  	[tilespmem:s9+$0x870] =	vst v0  }
0x13d: {  	v0 =	vld [tilespmem:$0x12870];
	_ =	sdelay $0x4  }
0x13e: {  	[tilespmem:s9+$0x1070] =	vst v0  }
0x13f: {  	v0 =	vld [tilespmem:$0x12970];
	_ =	sdelay $0x4  }
0x140: {  	[tilespmem:s9+$0x1870] =	vst v0  }
0x141: {  	v0 =	vld [tilespmem:s10+$0x10A80];
	_ =	sdelay $0x4  }
0x142: {  	[tilespmem:s9+$0xC00] =	vst v0  }
0x143: {  	v0 =	vld [tilespmem:$0x12880];
	_ =	sdelay $0x4  }
0x144: {  	[tilespmem:s9+$0x1400] =	vst v0  }
0x145: {  	v0 =	vld [tilespmem:$0x12980]  }
0x146: {  	s8 =	sand.u32 $0x7, s8  }
0x147: {  	s8 =	sshll.u32 s8, $0x7  }
0x148: {  	s7 =	sadd.s32 s8, s7  }
0x149: {  	s8 =	sor.u32 $0x1C00, s7  }
0x14a: {  	[tilespmem:s8+$0x0] =	vst v0  }
0x14b: {  	v0 =	vld [tilespmem:s10+$0x10A90];
	_ =	sdelay $0x4  }
0x14c: {  	[tilespmem:s9+$0xC10] =	vst v0  }
0x14d: {  	v0 =	vld [tilespmem:$0x12890];
	_ =	sdelay $0x4  }
0x14e: {  	[tilespmem:s9+$0x1410] =	vst v0  }
0x14f: {  	v0 =	vld [tilespmem:$0x12990];
	_ =	sdelay $0x3  }
0x150: {  	s13 =	sor.u32 $0x1C10, s7  }
0x151: {  	[tilespmem:s13+$0x0] =	vst v0  }
0x152: {  	v0 =	vld [tilespmem:s10+$0x10AA0];
	_ =	sdelay $0x4  }
0x153: {  	[tilespmem:s9+$0xC20] =	vst v0  }
0x154: {  	v0 =	vld [tilespmem:$0x128A0];
	_ =	sdelay $0x4  }
0x155: {  	[tilespmem:s9+$0x1420] =	vst v0  }
0x156: {  	v0 =	vld [tilespmem:$0x129A0];
	_ =	sdelay $0x3  }
0x157: {  	s14 =	sor.u32 $0x1C20, s7  }
0x158: {  	[tilespmem:s14+$0x0] =	vst v0  }
0x159: {  	v0 =	vld [tilespmem:s10+$0x10AB0];
	_ =	sdelay $0x4  }
0x15a: {  	[tilespmem:s9+$0xC30] =	vst v0  }
0x15b: {  	v0 =	vld [tilespmem:$0x128B0];
	_ =	sdelay $0x4  }
0x15c: {  	[tilespmem:s9+$0x1430] =	vst v0  }
0x15d: {  	v0 =	vld [tilespmem:$0x129B0];
	_ =	sdelay $0x3  }
0x15e: {  	s11 =	sor.u32 $0x1C30, s7  }
0x15f: {  	[tilespmem:s11+$0x0] =	vst v0  }
0x160: {  	v0 =	vld [tilespmem:s10+$0x10AC0];
	_ =	sdelay $0x4  }
0x161: {  	[tilespmem:s9+$0xC40] =	vst v0  }
0x162: {  	v0 =	vld [tilespmem:$0x128C0];
	_ =	sdelay $0x4  }
0x163: {  	[tilespmem:s9+$0x1440] =	vst v0  }
0x164: {  	v0 =	vld [tilespmem:$0x129C0];
	_ =	sdelay $0x3  }
0x165: {  	s12 =	sor.u32 $0x1C40, s7  }
0x166: {  	[tilespmem:s12+$0x0] =	vst v0  }
0x167: {  	v0 =	vld [tilespmem:s10+$0x10AD0];
	_ =	sdelay $0x4  }
0x168: {  	[tilespmem:s9+$0xC50] =	vst v0  }
0x169: {  	v0 =	vld [tilespmem:$0x128D0];
	_ =	sdelay $0x4  }
0x16a: {  	[tilespmem:s9+$0x1450] =	vst v0  }
0x16b: {  	v0 =	vld [tilespmem:$0x129D0];
	_ =	sdelay $0x3  }
0x16c: {  	s13 =	sor.u32 $0x1C50, s7  }
0x16d: {  	[tilespmem:s13+$0x0] =	vst v0  }
0x16e: {  	v0 =	vld [tilespmem:s10+$0x10AE0];
	_ =	sdelay $0x4  }
0x16f: {  	[tilespmem:s9+$0xC60] =	vst v0  }
0x170: {  	v0 =	vld [tilespmem:$0x128E0];
	_ =	sdelay $0x4  }
0x171: {  	[tilespmem:s9+$0x1460] =	vst v0  }
0x172: {  	v0 =	vld [tilespmem:$0x129E0];
	_ =	sdelay $0x3  }
0x173: {  	s14 =	sor.u32 $0x1C60, s7  }
0x174: {  	[tilespmem:s14+$0x0] =	vst v0  }
0x175: {  	v0 =	vld [tilespmem:s10+$0x10AF0];
	_ =	sdelay $0x4  }
0x176: {  	[tilespmem:s9+$0xC70] =	vst v0  }
0x177: {  	v0 =	vld [tilespmem:$0x128F0];
	_ =	sdelay $0x4  }
0x178: {  	[tilespmem:s9+$0x1470] =	vst v0  }
0x179: {  	v0 =	vld [tilespmem:$0x129F0];
	_ =	sdelay $0x3  }
0x17a: {  	s7 =	sor.u32 $0x1C70, s7  }
0x17b: {  	[tilespmem:s7+$0x0] =	vst v0  }
0x17c: {  	v0 =	vld [tilespmem:s30+$0x10A00];
	_ =	sdelay $0x4  }
0x17d: {  	[tilespmem:s31+$0x8800] =	vst v0  }
0x17e: {  	v0 =	vld [tilespmem:$0x12800];
	_ =	sdelay $0x4  }
0x17f: {  	[tilespmem:s31+$0x9000] =	vst v0  }
0x180: {  	v0 =	vld [tilespmem:$0x12900];
	_ =	sdelay $0x4  }
0x181: {  	[tilespmem:s31+$0x9800] =	vst v0  }
0x182: {  	v0 =	vld [tilespmem:s30+$0x10A10];
	_ =	sdelay $0x4  }
0x183: {  	[tilespmem:s31+$0x8810] =	vst v0  }
0x184: {  	v0 =	vld [tilespmem:$0x12810];
	_ =	sdelay $0x4  }
0x185: {  	[tilespmem:s31+$0x9010] =	vst v0  }
0x186: {  	v0 =	vld [tilespmem:$0x12910];
	_ =	sdelay $0x4  }
0x187: {  	[tilespmem:s31+$0x9810] =	vst v0  }
0x188: {  	v0 =	vld [tilespmem:s30+$0x10A20];
	_ =	sdelay $0x4  }
0x189: {  	[tilespmem:s31+$0x8820] =	vst v0  }
0x18a: {  	v0 =	vld [tilespmem:$0x12820];
	_ =	sdelay $0x4  }
0x18b: {  	[tilespmem:s31+$0x9020] =	vst v0  }
0x18c: {  	v0 =	vld [tilespmem:$0x12920];
	_ =	sdelay $0x4  }
0x18d: {  	[tilespmem:s31+$0x9820] =	vst v0  }
0x18e: {  	v0 =	vld [tilespmem:s30+$0x10A30];
	_ =	sdelay $0x4  }
0x18f: {  	[tilespmem:s31+$0x8830] =	vst v0  }
0x190: {  	v0 =	vld [tilespmem:$0x12830];
	_ =	sdelay $0x4  }
0x191: {  	[tilespmem:s31+$0x9030] =	vst v0  }
0x192: {  	v0 =	vld [tilespmem:$0x12930];
	_ =	sdelay $0x4  }
0x193: {  	[tilespmem:s31+$0x9830] =	vst v0  }
0x194: {  	v0 =	vld [tilespmem:s30+$0x10A40];
	_ =	sdelay $0x4  }
0x195: {  	[tilespmem:s31+$0x8840] =	vst v0  }
0x196: {  	v0 =	vld [tilespmem:$0x12840];
	_ =	sdelay $0x4  }
0x197: {  	[tilespmem:s31+$0x9040] =	vst v0  }
0x198: {  	v0 =	vld [tilespmem:$0x12940];
	_ =	sdelay $0x4  }
0x199: {  	[tilespmem:s31+$0x9840] =	vst v0  }
0x19a: {  	v0 =	vld [tilespmem:s30+$0x10A50];
	_ =	sdelay $0x4  }
0x19b: {  	[tilespmem:s31+$0x8850] =	vst v0  }
0x19c: {  	v0 =	vld [tilespmem:$0x12850];
	_ =	sdelay $0x4  }
0x19d: {  	[tilespmem:s31+$0x9050] =	vst v0  }
0x19e: {  	v0 =	vld [tilespmem:$0x12950];
	_ =	sdelay $0x4  }
0x19f: {  	[tilespmem:s31+$0x9850] =	vst v0  }
0x1a0: {  	v0 =	vld [tilespmem:s30+$0x10A60];
	_ =	sdelay $0x4  }
0x1a1: {  	[tilespmem:s31+$0x8860] =	vst v0  }
0x1a2: {  	v0 =	vld [tilespmem:$0x12860];
	_ =	sdelay $0x4  }
0x1a3: {  	[tilespmem:s31+$0x9060] =	vst v0  }
0x1a4: {  	v0 =	vld [tilespmem:$0x12960];
	_ =	sdelay $0x4  }
0x1a5: {  	[tilespmem:s31+$0x9860] =	vst v0  }
0x1a6: {  	v0 =	vld [tilespmem:s30+$0x10A70];
	_ =	sdelay $0x4  }
0x1a7: {  	[tilespmem:s31+$0x8870] =	vst v0  }
0x1a8: {  	v0 =	vld [tilespmem:$0x12870];
	_ =	sdelay $0x4  }
0x1a9: {  	[tilespmem:s31+$0x9070] =	vst v0  }
0x1aa: {  	v0 =	vld [tilespmem:$0x12970];
	_ =	sdelay $0x4  }
0x1ab: {  	[tilespmem:s31+$0x9870] =	vst v0  }
0x1ac: {  	v0 =	vld [tilespmem:s30+$0x10A80];
	_ =	sdelay $0x4  }
0x1ad: {  	[tilespmem:s31+$0x8C00] =	vst v0  }
0x1ae: {  	v0 =	vld [tilespmem:$0x12880];
	_ =	sdelay $0x4  }
0x1af: {  	[tilespmem:s31+$0x9400] =	vst v0  }
0x1b0: {  	v0 =	vld [tilespmem:$0x12980];
	_ =	sdelay $0x4  }
0x1b1: {  	[tilespmem:s1+$0x8000] =	vst v0  }
0x1b2: {  	v0 =	vld [tilespmem:s30+$0x10A90];
	_ =	sdelay $0x4  }
0x1b3: {  	[tilespmem:s31+$0x8C10] =	vst v0  }
0x1b4: {  	v0 =	vld [tilespmem:$0x12890];
	_ =	sdelay $0x4  }
0x1b5: {  	[tilespmem:s31+$0x9410] =	vst v0  }
0x1b6: {  	v0 =	vld [tilespmem:$0x12990];
	_ =	sdelay $0x4  }
0x1b7: {  	[tilespmem:s19+$0x8000] =	vst v0  }
0x1b8: {  	v0 =	vld [tilespmem:s30+$0x10AA0];
	_ =	sdelay $0x4  }
0x1b9: {  	[tilespmem:s31+$0x8C20] =	vst v0  }
0x1ba: {  	v0 =	vld [tilespmem:$0x128A0];
	_ =	sdelay $0x4  }
0x1bb: {  	[tilespmem:s31+$0x9420] =	vst v0  }
0x1bc: {  	v0 =	vld [tilespmem:$0x129A0];
	_ =	sdelay $0x4  }
0x1bd: {  	[tilespmem:s21+$0x8000] =	vst v0  }
0x1be: {  	v0 =	vld [tilespmem:s30+$0x10AB0];
	_ =	sdelay $0x4  }
0x1bf: {  	[tilespmem:s31+$0x8C30] =	vst v0  }
0x1c0: {  	v0 =	vld [tilespmem:$0x128B0];
	_ =	sdelay $0x4  }
0x1c1: {  	[tilespmem:s31+$0x9430] =	vst v0  }
0x1c2: {  	v0 =	vld [tilespmem:$0x129B0];
	_ =	sdelay $0x4  }
0x1c3: {  	[tilespmem:s22+$0x8000] =	vst v0  }
0x1c4: {  	v0 =	vld [tilespmem:s30+$0x10AC0];
	_ =	sdelay $0x4  }
0x1c5: {  	[tilespmem:s31+$0x8C40] =	vst v0  }
0x1c6: {  	v0 =	vld [tilespmem:$0x128C0];
	_ =	sdelay $0x4  }
0x1c7: {  	[tilespmem:s31+$0x9440] =	vst v0  }
0x1c8: {  	v0 =	vld [tilespmem:$0x129C0];
	_ =	sdelay $0x4  }
0x1c9: {  	[tilespmem:s23+$0x8000] =	vst v0  }
0x1ca: {  	v0 =	vld [tilespmem:s30+$0x10AD0];
	_ =	sdelay $0x4  }
0x1cb: {  	[tilespmem:s31+$0x8C50] =	vst v0  }
0x1cc: {  	v0 =	vld [tilespmem:$0x128D0];
	_ =	sdelay $0x4  }
0x1cd: {  	[tilespmem:s31+$0x9450] =	vst v0  }
0x1ce: {  	v0 =	vld [tilespmem:$0x129D0];
	_ =	sdelay $0x4  }
0x1cf: {  	[tilespmem:s3+$0x8000] =	vst v0  }
0x1d0: {  	v0 =	vld [tilespmem:s30+$0x10AE0];
	_ =	sdelay $0x4  }
0x1d1: {  	[tilespmem:s31+$0x8C60] =	vst v0  }
0x1d2: {  	v0 =	vld [tilespmem:$0x128E0];
	_ =	sdelay $0x4  }
0x1d3: {  	[tilespmem:s31+$0x9460] =	vst v0  }
0x1d4: {  	v0 =	vld [tilespmem:$0x129E0];
	_ =	sdelay $0x4  }
0x1d5: {  	[tilespmem:s5+$0x8000] =	vst v0  }
0x1d6: {  	v0 =	vld [tilespmem:s30+$0x10AF0];
	_ =	sdelay $0x4  }
0x1d7: {  	[tilespmem:s31+$0x8C70] =	vst v0  }
0x1d8: {  	v0 =	vld [tilespmem:$0x128F0];
	_ =	sdelay $0x4  }
0x1d9: {  	[tilespmem:s31+$0x9470] =	vst v0  }
0x1da: {  	v0 =	vld [tilespmem:$0x129F0];
	_ =	sdelay $0x2  }
0x1db: {  	s7 =	sor.u32 $0x1C70, s0;
	s0 =	simm.s32 $0x1;
	s5 =	simm.s32 $0x800  }
.LBB2_5:
0x1dc: {  	s3 =	sshra.s32 s29, $0x2  }
0x1dd: {  	[tilespmem:s7+$0x8000] =	vst v0;
	s28 =	sadd.s32 $0x80, s28;
	s7 =	smov.u32 s5;
	s1 =	sadd.s32 $0x400, s5  }
0x1de: {  	p0 =	sne.s32 s5, $0x7400;
	v0 =	vld [tilespmem:s3+$0x10A00];
	_ =	sdelay $0x2  }
0x1df: {  	s5 =	sand.u32 $0x6000, s29;
	s8 =	sand.u32 $0x380, s28  }
0x1e0: {  	s5 =	sor.u32 s8, s5  }
0x1e1: {  	[tilespmem:s5+$0x8800] =	vst v0  }
0x1e2: {  	v0 =	vld [tilespmem:$0x12800];
	_ =	sdelay $0x4  }
0x1e3: {  	[tilespmem:s5+$0x9000] =	vst v0  }
0x1e4: {  	v0 =	vld [tilespmem:$0x12900];
	_ =	sdelay $0x4  }
0x1e5: {  	[tilespmem:s5+$0x9800] =	vst v0  }
0x1e6: {  	v0 =	vld [tilespmem:s3+$0x10A10];
	_ =	sdelay $0x4  }
0x1e7: {  	[tilespmem:s5+$0x8810] =	vst v0  }
0x1e8: {  	v0 =	vld [tilespmem:$0x12810];
	_ =	sdelay $0x4  }
0x1e9: {  	[tilespmem:s5+$0x9010] =	vst v0  }
0x1ea: {  	v0 =	vld [tilespmem:$0x12910];
	_ =	sdelay $0x4  }
0x1eb: {  	[tilespmem:s5+$0x9810] =	vst v0  }
0x1ec: {  	v0 =	vld [tilespmem:s3+$0x10A20];
	_ =	sdelay $0x4  }
0x1ed: {  	[tilespmem:s5+$0x8820] =	vst v0  }
0x1ee: {  	v0 =	vld [tilespmem:$0x12820];
	_ =	sdelay $0x4  }
0x1ef: {  	[tilespmem:s5+$0x9020] =	vst v0  }
0x1f0: {  	v0 =	vld [tilespmem:$0x12920];
	_ =	sdelay $0x4  }
0x1f1: {  	[tilespmem:s5+$0x9820] =	vst v0  }
0x1f2: {  	v0 =	vld [tilespmem:s3+$0x10A30];
	_ =	sdelay $0x4  }
0x1f3: {  	[tilespmem:s5+$0x8830] =	vst v0  }
0x1f4: {  	v0 =	vld [tilespmem:$0x12830];
	_ =	sdelay $0x4  }
0x1f5: {  	[tilespmem:s5+$0x9030] =	vst v0  }
0x1f6: {  	v0 =	vld [tilespmem:$0x12930];
	_ =	sdelay $0x4  }
0x1f7: {  	[tilespmem:s5+$0x9830] =	vst v0  }
0x1f8: {  	v0 =	vld [tilespmem:s3+$0x10A40];
	_ =	sdelay $0x4  }
0x1f9: {  	[tilespmem:s5+$0x8840] =	vst v0  }
0x1fa: {  	v0 =	vld [tilespmem:$0x12840];
	_ =	sdelay $0x4  }
0x1fb: {  	[tilespmem:s5+$0x9040] =	vst v0  }
0x1fc: {  	v0 =	vld [tilespmem:$0x12940];
	_ =	sdelay $0x4  }
0x1fd: {  	[tilespmem:s5+$0x9840] =	vst v0  }
0x1fe: {  	v0 =	vld [tilespmem:s3+$0x10A50];
	_ =	sdelay $0x4  }
0x1ff: {  	[tilespmem:s5+$0x8850] =	vst v0  }
0x200: {  	v0 =	vld [tilespmem:$0x12850];
	_ =	sdelay $0x4  }
0x201: {  	[tilespmem:s5+$0x9050] =	vst v0  }
0x202: {  	v0 =	vld [tilespmem:$0x12950];
	_ =	sdelay $0x4  }
0x203: {  	[tilespmem:s5+$0x9850] =	vst v0  }
0x204: {  	v0 =	vld [tilespmem:s3+$0x10A60];
	_ =	sdelay $0x4  }
0x205: {  	[tilespmem:s5+$0x8860] =	vst v0  }
0x206: {  	v0 =	vld [tilespmem:$0x12860];
	_ =	sdelay $0x4  }
0x207: {  	[tilespmem:s5+$0x9060] =	vst v0  }
0x208: {  	v0 =	vld [tilespmem:$0x12960];
	_ =	sdelay $0x4  }
0x209: {  	[tilespmem:s5+$0x9860] =	vst v0  }
0x20a: {  	v0 =	vld [tilespmem:s3+$0x10A70];
	_ =	sdelay $0x4  }
0x20b: {  	[tilespmem:s5+$0x8870] =	vst v0  }
0x20c: {  	v0 =	vld [tilespmem:$0x12870];
	_ =	sdelay $0x4  }
0x20d: {  	[tilespmem:s5+$0x9070] =	vst v0  }
0x20e: {  	v0 =	vld [tilespmem:$0x12970];
	_ =	sdelay $0x4  }
0x20f: {  	[tilespmem:s5+$0x9870] =	vst v0  }
0x210: {  	v0 =	vld [tilespmem:s3+$0x10A80];
	_ =	sdelay $0x4  }
0x211: {  	[tilespmem:s5+$0x8C00] =	vst v0  }
0x212: {  	v0 =	vld [tilespmem:$0x12880];
	_ =	sdelay $0x4  }
0x213: {  	[tilespmem:s5+$0x9400] =	vst v0  }
0x214: {  	v0 =	vld [tilespmem:$0x12980]  }
0x215: {  	s8 =	sand.u32 $0x7, s0  }
0x216: {  	s8 =	sshll.u32 s8, $0x7  }
0x217: {  	s8 =	sadd.s32 s8, s29;
	s29 =	smov.u32 s7  }
0x218: {  	s7 =	sor.u32 $0x1C00, s8  }
0x219: {  	[tilespmem:s7+$0x8000] =	vst v0  }
0x21a: {  	v0 =	vld [tilespmem:s3+$0x10A90];
	_ =	sdelay $0x4  }
0x21b: {  	[tilespmem:s5+$0x8C10] =	vst v0  }
0x21c: {  	v0 =	vld [tilespmem:$0x12890];
	_ =	sdelay $0x4  }
0x21d: {  	[tilespmem:s5+$0x9410] =	vst v0  }
0x21e: {  	v0 =	vld [tilespmem:$0x12990];
	_ =	sdelay $0x3  }
0x21f: {  	s7 =	sor.u32 $0x1C10, s8  }
0x220: {  	[tilespmem:s7+$0x8000] =	vst v0  }
0x221: {  	v0 =	vld [tilespmem:s3+$0x10AA0];
	_ =	sdelay $0x4  }
0x222: {  	[tilespmem:s5+$0x8C20] =	vst v0  }
0x223: {  	v0 =	vld [tilespmem:$0x128A0];
	_ =	sdelay $0x4  }
0x224: {  	[tilespmem:s5+$0x9420] =	vst v0  }
0x225: {  	v0 =	vld [tilespmem:$0x129A0];
	_ =	sdelay $0x3  }
0x226: {  	s7 =	sor.u32 $0x1C20, s8  }
0x227: {  	[tilespmem:s7+$0x8000] =	vst v0  }
0x228: {  	v0 =	vld [tilespmem:s3+$0x10AB0];
	_ =	sdelay $0x4  }
0x229: {  	[tilespmem:s5+$0x8C30] =	vst v0  }
0x22a: {  	v0 =	vld [tilespmem:$0x128B0];
	_ =	sdelay $0x4  }
0x22b: {  	[tilespmem:s5+$0x9430] =	vst v0  }
0x22c: {  	v0 =	vld [tilespmem:$0x129B0];
	_ =	sdelay $0x3  }
0x22d: {  	s7 =	sor.u32 $0x1C30, s8  }
0x22e: {  	[tilespmem:s7+$0x8000] =	vst v0  }
0x22f: {  	v0 =	vld [tilespmem:s3+$0x10AC0];
	_ =	sdelay $0x4  }
0x230: {  	[tilespmem:s5+$0x8C40] =	vst v0  }
0x231: {  	v0 =	vld [tilespmem:$0x128C0];
	_ =	sdelay $0x4  }
0x232: {  	[tilespmem:s5+$0x9440] =	vst v0  }
0x233: {  	v0 =	vld [tilespmem:$0x129C0];
	_ =	sdelay $0x3  }
0x234: {  	s7 =	sor.u32 $0x1C40, s8  }
0x235: {  	[tilespmem:s7+$0x8000] =	vst v0  }
0x236: {  	v0 =	vld [tilespmem:s3+$0x10AD0];
	_ =	sdelay $0x4  }
0x237: {  	[tilespmem:s5+$0x8C50] =	vst v0  }
0x238: {  	v0 =	vld [tilespmem:$0x128D0];
	_ =	sdelay $0x4  }
0x239: {  	[tilespmem:s5+$0x9450] =	vst v0  }
0x23a: {  	v0 =	vld [tilespmem:$0x129D0];
	_ =	sdelay $0x3  }
0x23b: {  	s7 =	sor.u32 $0x1C50, s8  }
0x23c: {  	[tilespmem:s7+$0x8000] =	vst v0  }
0x23d: {  	v0 =	vld [tilespmem:s3+$0x10AE0];
	_ =	sdelay $0x4  }
0x23e: {  	[tilespmem:s5+$0x8C60] =	vst v0  }
0x23f: {  	v0 =	vld [tilespmem:$0x128E0];
	_ =	sdelay $0x4  }
0x240: {  	[tilespmem:s5+$0x9460] =	vst v0  }
0x241: {  	v0 =	vld [tilespmem:$0x129E0];
	_ =	sdelay $0x3  }
0x242: {  	s7 =	sor.u32 $0x1C60, s8  }
0x243: {  	[tilespmem:s7+$0x8000] =	vst v0  }
0x244: {  	v0 =	vld [tilespmem:s3+$0x10AF0];
	_ =	sdelay $0x4  }
0x245: {  	[tilespmem:s5+$0x8C70] =	vst v0  }
0x246: {  	v0 =	vld [tilespmem:$0x128F0];
	_ =	sdelay $0x4  }
0x247: {  	[tilespmem:s5+$0x9470] =	vst v0  }
.Ltmp2:
0x248: {  	v0 =	vld [tilespmem:$0x129F0];
	(pc) =	sbr.rel @p0 .LBB2_5-.Ltmp2, $2  }
0x249: {  	_ =	sdelay $0x2  }
0x24a: {  	s0 =	sadd.s32 $0x1, s0;
	s7 =	sor.u32 $0x1C70, s8;
	s5 =	smov.u32 s1  }
0x24b: {  	s1 =	sshra.s32 s29, $0x2;
	[tilespmem:s7+$0x8000] =	vst v0  }
0x24c: {  	v0 =	vld [tilespmem:s1+$0x10A00];
	_ =	sdelay $0x1  }
0x24d: {  	s3 =	sadd.s32 $0x80, s28  }
0x24e: {  	s5 =	sand.u32 $0x6000, s29;
	s3 =	sand.u32 $0x380, s3  }
0x24f: {  	s3 =	sor.u32 s3, s5  }
0x250: {  	[tilespmem:s3+$0x8800] =	vst v0  }
0x251: {  	v0 =	vld [tilespmem:$0x12800];
	_ =	sdelay $0x4  }
0x252: {  	[tilespmem:s3+$0x9000] =	vst v0  }
0x253: {  	v0 =	vld [tilespmem:$0x12900];
	_ =	sdelay $0x4  }
0x254: {  	[tilespmem:s3+$0x9800] =	vst v0  }
0x255: {  	v0 =	vld [tilespmem:s1+$0x10A10];
	_ =	sdelay $0x4  }
0x256: {  	[tilespmem:s3+$0x8810] =	vst v0  }
0x257: {  	v0 =	vld [tilespmem:$0x12810];
	_ =	sdelay $0x4  }
0x258: {  	[tilespmem:s3+$0x9010] =	vst v0  }
0x259: {  	v0 =	vld [tilespmem:$0x12910];
	_ =	sdelay $0x4  }
0x25a: {  	[tilespmem:s3+$0x9810] =	vst v0  }
0x25b: {  	v0 =	vld [tilespmem:s1+$0x10A20];
	_ =	sdelay $0x4  }
0x25c: {  	[tilespmem:s3+$0x8820] =	vst v0  }
0x25d: {  	v0 =	vld [tilespmem:$0x12820];
	_ =	sdelay $0x4  }
0x25e: {  	[tilespmem:s3+$0x9020] =	vst v0  }
0x25f: {  	v0 =	vld [tilespmem:$0x12920];
	_ =	sdelay $0x4  }
0x260: {  	[tilespmem:s3+$0x9820] =	vst v0  }
0x261: {  	v0 =	vld [tilespmem:s1+$0x10A30];
	_ =	sdelay $0x4  }
0x262: {  	[tilespmem:s3+$0x8830] =	vst v0  }
0x263: {  	v0 =	vld [tilespmem:$0x12830];
	_ =	sdelay $0x4  }
0x264: {  	[tilespmem:s3+$0x9030] =	vst v0  }
0x265: {  	v0 =	vld [tilespmem:$0x12930];
	_ =	sdelay $0x4  }
0x266: {  	[tilespmem:s3+$0x9830] =	vst v0  }
0x267: {  	v0 =	vld [tilespmem:s1+$0x10A40];
	_ =	sdelay $0x4  }
0x268: {  	[tilespmem:s3+$0x8840] =	vst v0  }
0x269: {  	v0 =	vld [tilespmem:$0x12840];
	_ =	sdelay $0x4  }
0x26a: {  	[tilespmem:s3+$0x9040] =	vst v0  }
0x26b: {  	v0 =	vld [tilespmem:$0x12940];
	_ =	sdelay $0x4  }
0x26c: {  	[tilespmem:s3+$0x9840] =	vst v0  }
0x26d: {  	v0 =	vld [tilespmem:s1+$0x10A50];
	_ =	sdelay $0x4  }
0x26e: {  	[tilespmem:s3+$0x8850] =	vst v0  }
0x26f: {  	v0 =	vld [tilespmem:$0x12850];
	_ =	sdelay $0x4  }
0x270: {  	[tilespmem:s3+$0x9050] =	vst v0  }
0x271: {  	v0 =	vld [tilespmem:$0x12950];
	_ =	sdelay $0x4  }
0x272: {  	[tilespmem:s3+$0x9850] =	vst v0  }
0x273: {  	v0 =	vld [tilespmem:s1+$0x10A60];
	_ =	sdelay $0x4  }
0x274: {  	[tilespmem:s3+$0x8860] =	vst v0  }
0x275: {  	v0 =	vld [tilespmem:$0x12860];
	_ =	sdelay $0x4  }
0x276: {  	[tilespmem:s3+$0x9060] =	vst v0  }
0x277: {  	v0 =	vld [tilespmem:$0x12960];
	_ =	sdelay $0x4  }
0x278: {  	[tilespmem:s3+$0x9860] =	vst v0  }
0x279: {  	v0 =	vld [tilespmem:s1+$0x10A70];
	_ =	sdelay $0x4  }
0x27a: {  	[tilespmem:s3+$0x8870] =	vst v0  }
0x27b: {  	v0 =	vld [tilespmem:$0x12870];
	_ =	sdelay $0x4  }
0x27c: {  	[tilespmem:s3+$0x9070] =	vst v0  }
0x27d: {  	v0 =	vld [tilespmem:$0x12970];
	_ =	sdelay $0x4  }
0x27e: {  	[tilespmem:s3+$0x9870] =	vst v0  }
0x27f: {  	v0 =	vld [tilespmem:s1+$0x10A80];
	_ =	sdelay $0x4  }
0x280: {  	[tilespmem:s3+$0x8C00] =	vst v0  }
0x281: {  	v0 =	vld [tilespmem:$0x12880];
	_ =	sdelay $0x4  }
0x282: {  	[tilespmem:s3+$0x9400] =	vst v0  }
0x283: {  	v0 =	vld [tilespmem:$0x12980]  }
0x284: {  	s0 =	sand.u32 $0x7, s0  }
0x285: {  	s0 =	sshll.u32 s0, $0x7  }
0x286: {  	s0 =	sadd.s32 s0, s29  }
0x287: {  	s14 =	sor.u32 $0x1C00, s0  }
0x288: {  	[tilespmem:s14+$0x8000] =	vst v0  }
0x289: {  	v0 =	vld [tilespmem:s1+$0x10A90];
	_ =	sdelay $0x4  }
0x28a: {  	[tilespmem:s3+$0x8C10] =	vst v0  }
0x28b: {  	v0 =	vld [tilespmem:$0x12890];
	_ =	sdelay $0x4  }
0x28c: {  	[tilespmem:s3+$0x9410] =	vst v0  }
0x28d: {  	v0 =	vld [tilespmem:$0x12990];
	_ =	sdelay $0x3  }
0x28e: {  	s19 =	sor.u32 $0x1C10, s0  }
0x28f: {  	[tilespmem:s19+$0x8000] =	vst v0  }
0x290: {  	v0 =	vld [tilespmem:s1+$0x10AA0];
	_ =	sdelay $0x4  }
0x291: {  	[tilespmem:s3+$0x8C20] =	vst v0  }
0x292: {  	v0 =	vld [tilespmem:$0x128A0];
	_ =	sdelay $0x4  }
0x293: {  	[tilespmem:s3+$0x9420] =	vst v0  }
0x294: {  	v0 =	vld [tilespmem:$0x129A0];
	_ =	sdelay $0x3  }
0x295: {  	s21 =	sor.u32 $0x1C20, s0  }
0x296: {  	[tilespmem:s21+$0x8000] =	vst v0  }
0x297: {  	v0 =	vld [tilespmem:s1+$0x10AB0];
	_ =	sdelay $0x4  }
0x298: {  	[tilespmem:s3+$0x8C30] =	vst v0  }
0x299: {  	v0 =	vld [tilespmem:$0x128B0];
	_ =	sdelay $0x4  }
0x29a: {  	[tilespmem:s3+$0x9430] =	vst v0  }
0x29b: {  	v0 =	vld [tilespmem:$0x129B0];
	_ =	sdelay $0x3  }
0x29c: {  	s22 =	sor.u32 $0x1C30, s0  }
0x29d: {  	[tilespmem:s22+$0x8000] =	vst v0  }
0x29e: {  	v0 =	vld [tilespmem:s1+$0x10AC0];
	_ =	sdelay $0x4  }
0x29f: {  	[tilespmem:s3+$0x8C40] =	vst v0  }
0x2a0: {  	v0 =	vld [tilespmem:$0x128C0];
	_ =	sdelay $0x4  }
0x2a1: {  	[tilespmem:s3+$0x9440] =	vst v0  }
0x2a2: {  	v0 =	vld [tilespmem:$0x129C0];
	_ =	sdelay $0x3  }
0x2a3: {  	s23 =	sor.u32 $0x1C40, s0  }
0x2a4: {  	[tilespmem:s23+$0x8000] =	vst v0  }
0x2a5: {  	v0 =	vld [tilespmem:s1+$0x10AD0];
	_ =	sdelay $0x4  }
0x2a6: {  	[tilespmem:s3+$0x8C50] =	vst v0  }
0x2a7: {  	v0 =	vld [tilespmem:$0x128D0];
	_ =	sdelay $0x4  }
0x2a8: {  	[tilespmem:s3+$0x9450] =	vst v0  }
0x2a9: {  	v0 =	vld [tilespmem:$0x129D0];
	_ =	sdelay $0x3  }
0x2aa: {  	s28 =	sor.u32 $0x1C50, s0  }
0x2ab: {  	[tilespmem:s28+$0x8000] =	vst v0  }
0x2ac: {  	v0 =	vld [tilespmem:s1+$0x10AE0];
	_ =	sdelay $0x4  }
0x2ad: {  	[tilespmem:s3+$0x8C60] =	vst v0  }
0x2ae: {  	v0 =	vld [tilespmem:$0x128E0];
	_ =	sdelay $0x4  }
0x2af: {  	[tilespmem:s3+$0x9460] =	vst v0  }
0x2b0: {  	v0 =	vld [tilespmem:$0x129E0];
	_ =	sdelay $0x3  }
0x2b1: {  	s29 =	sor.u32 $0x1C60, s0  }
0x2b2: {  	[tilespmem:s29+$0x8000] =	vst v0  }
0x2b3: {  	v0 =	vld [tilespmem:s1+$0x10AF0];
	_ =	sdelay $0x4  }
0x2b4: {  	[tilespmem:s3+$0x8C70] =	vst v0  }
0x2b5: {  	v0 =	vld [tilespmem:$0x128F0];
	_ =	sdelay $0x4  }
0x2b6: {  	[tilespmem:s3+$0x9470] =	vst v0  }
0x2b7: {  	v0 =	vld [tilespmem:$0x129F0];
	_ =	sdelay $0x3  }
0x2b8: {  	s31 =	sor.u32 $0x1C70, s0  }
0x2b9: {  	s0 =	simm.s32 $0x0;
	s1 =	simm.s32 $0x0;
	[tilespmem:s31+$0x8000] =	vst v0  }
.LBB2_7:
0x2ba: {  	s5 =	sshll.u32 s1, $0x4;
	p0 =	por $0x1, $0x1  }
.Ltmp3:
0x2bb: {  	s7 =	sand.u32 $0x70, s5;
	(pc) =	sbr.rel @!p0 .LBB2_9-.Ltmp3, $4  }
0x2bc: {  	s3 =	sshll.u32 s1, $0x7;
	v0 =	vld [tilespmem:s5+$0x10000];
	v1 =	vmov s7  }
0x2bd: {  	s8 =	sand.u32 $0x6000, s0;
	s3 =	sand.u32 $0x400, s3  }
0x2be: {  	s9 =	sand.u32 $0x380, s0;
	s8 =	sor.u32 s8, s3  }
0x2bf: {  	s5 =	simm.s32 $0x400;
	s7 =	simm.s32 $0x0;
	s8 =	sadd.s32 s9, s8  }
.LBB2_8:
0x2c0: {  	p0 =	sne.s32 s5, $0x7400  }
0x2c1: {  	[tilespmem:v1+s8+$0x0 ss:$0x1] =	vst.idx.msk $0xffff, v0;
	s7 =	sadd.s32 $0x80, s7;
	s8 =	smov.u32 s5;
	s5 =	sadd.s32 $0x400, s5  }
.Ltmp4:
0x2c2: {  	(pc) =	sbr.rel @p0 .LBB2_8-.Ltmp4, $4  }
0x2c3: {  	_ = 	snop  }
0x2c4: {  	s8 =	sand.u32 $0x6000, s8  }
0x2c5: {  	s9 =	sand.u32 $0x380, s7;
	s8 =	sor.u32 s8, s3  }
0x2c6: {  	s8 =	sadd.s32 s9, s8  }
.LBB2_9:
0x2c7: {  	s1 =	sadd.s32 $0x1, s1  }
0x2c8: {  	p0 =	sne.s32 s1, $0x10  }
.Ltmp5:
0x2c9: {  	_ = 	snop;
	(pc) =	sbr.rel @p0 .LBB2_7-.Ltmp5, $2  }
0x2ca: {  	_ =	sdelay $0x2  }
0x2cb: {  	[tilespmem:v1+s8+$0x0 ss:$0x1] =	vst.idx.msk $0xffff, v0  }
0x2cc: {  	s0 =	simm.s32 $0x0;
	s1 =	simm.s32 $0x0  }
0x2cd: {  	[hbm4b:s6+s0] =	stream.linear.scatter [tilespmem:s0], [sflag:$0x1], $0x8000, $0x38;
	[tilespmem:$0x12A00] =	vst v63  }
.LBB2_11:
0x2ce: {  	s5 =	sshll.u32 s1, $0x4  }
0x2cf: {  	s3 =	sshll.u32 s1, $0x7;
	s7 =	sand.u32 $0x70, s5;
	s5 =	sand.u32 $0xF0, s5  }
0x2d0: {  	s3 =	sand.u32 $0x400, s3;
	v0 =	vld [tilespmem:s5+$0x10100];
	v1 =	vmov s7  }
0x2d1: {  	s8 =	sand.u32 $0x6000, s0;
	s3 =	sor.u32 $0x8000, s3  }
0x2d2: {  	s9 =	sand.u32 $0x380, s0;
	s8 =	sadd.s32 s8, s3  }
0x2d3: {  	s5 =	simm.s32 $0x400;
	s7 =	simm.s32 $0x0;
	s8 =	sadd.s32 s9, s8  }
.LBB2_12:
0x2d4: {  	p0 =	sne.s32 s5, $0x7400  }
0x2d5: {  	[tilespmem:v1+s8+$0x0 ss:$0x1] =	vst.idx.msk $0xffff, v0;
	s7 =	sadd.s32 $0x80, s7;
	s8 =	smov.u32 s5;
	s5 =	sadd.s32 $0x400, s5  }
.Ltmp6:
0x2d6: {  	(pc) =	sbr.rel @p0 .LBB2_12-.Ltmp6, $4  }
0x2d7: {  	_ = 	snop  }
0x2d8: {  	s8 =	sand.u32 $0x6000, s8  }
0x2d9: {  	s9 =	sand.u32 $0x380, s7;
	s8 =	sadd.s32 s8, s3  }
0x2da: {  	s8 =	sadd.s32 s9, s8  }
0x2db: {  	s1 =	sadd.s32 $0x1, s1  }
0x2dc: {  	p0 =	sne.s32 s1, $0x10  }
.Ltmp7:
0x2dd: {  	_ = 	snop;
	(pc) =	sbr.rel @p0 .LBB2_11-.Ltmp7, $2  }
0x2de: {  	_ =	sdelay $0x2  }
0x2df: {  	[tilespmem:v1+s8+$0x0 ss:$0x1] =	vst.idx.msk $0xffff, v0  }
0x2e0: {  	s0 =	rddreg [dreg:$0x6]  }
0x2e1: {  	[hbm4b:s0+s2] =	stream.linear.scatter [tilespmem:s24], [sflag:$0x2], $0x8000, $0x38;
	[tilespmem:$0x12A00] =	vst v63  }
0x2e2: {  	_ =	swait.ge [sflag:s4], $0x8000  }
0x2e3: {  	[sflag:s4] =	ssyncset.done $0x0  }
0x2e4: {  	s21 =	rddreg [dreg:$0x7];
	[sflag:s4] =	ssyncadd.s32 $0xFFFF8000  }
0x2e5: {  	[hbm4b:s21+s2] =	stream.linear.scatter [tilespmem:s2], [sflag:$0x1], $0x8000, $0x38;
	[tilespmem:$0x12A00] =	vst v63  }
0x2e6: {  	_ =	swait.ge [sflag:s25], $0x8000  }
0x2e7: {  	[sflag:s25] =	ssyncset.done $0x0  }
0x2e8: {  	s22 =	rddreg [dreg:$0x8];
	[sflag:s25] =	ssyncadd.s32 $0xFFFF8000  }
0x2e9: {  	[hbm4b:s22+s2] =	stream.linear.scatter [tilespmem:s24], [sflag:$0x2], $0x8000, $0x38;
	[tilespmem:$0x12A00] =	vst v63  }
0x2ea: {  	_ =	swait.ge [sflag:s4], $0x8000  }
0x2eb: {  	[sflag:s4] =	ssyncset.done $0x0  }
0x2ec: {  	s23 =	rddreg [dreg:$0x9];
	[sflag:s4] =	ssyncadd.s32 $0xFFFF8000  }
0x2ed: {  	[hbm4b:s23+s2] =	stream.linear.scatter [tilespmem:s2], [sflag:$0x1], $0x8000, $0x38;
	[tilespmem:$0x12A00] =	vst v63  }
0x2ee: {  	_ =	swait.ge [sflag:s25], $0x8000  }
0x2ef: {  	[sflag:s25] =	ssyncset.done $0x0  }
0x2f0: {  	s28 =	rddreg [dreg:$0xa];
	[sflag:s25] =	ssyncadd.s32 $0xFFFF8000  }
0x2f1: {  	[hbm4b:s28+s2] =	stream.linear.scatter [tilespmem:s24], [sflag:$0x2], $0x8000, $0x38;
	[tilespmem:$0x12A00] =	vst v63  }
0x2f2: {  	_ =	swait.ge [sflag:s4], $0x8000  }
0x2f3: {  	[sflag:s4] =	ssyncset.done $0x0  }
0x2f4: {  	s29 =	rddreg [dreg:$0xb];
	[sflag:s4] =	ssyncadd.s32 $0xFFFF8000  }
0x2f5: {  	[hbm4b:s29+s2] =	stream.linear.scatter [tilespmem:s2], [sflag:$0x1], $0x8000, $0x38;
	[tilespmem:$0x12A00] =	vst v63  }
0x2f6: {  	_ =	swait.ge [sflag:s25], $0x8000  }
0x2f7: {  	[sflag:s25] =	ssyncset.done $0x0  }
0x2f8: {  	s31 =	rddreg [dreg:$0xc];
	[sflag:s25] =	ssyncadd.s32 $0xFFFF8000  }
0x2f9: {  	[hbm4b:s31+s2] =	stream.linear.scatter [tilespmem:s24], [sflag:$0x2], $0x8000, $0x38;
	[tilespmem:$0x12A00] =	vst v63  }
0x2fa: {  	_ =	swait.ge [sflag:s4], $0x8000  }
0x2fb: {  	[sflag:s4] =	ssyncset.done $0x0  }
0x2fc: {  	[sflag:s4] =	ssyncadd.s32 $0xFFFF8000  }
0x2fd: {  	[hbm4b:s15+s2] =	stream.linear.scatter [tilespmem:s2], [sflag:$0x1], $0x8000, $0x38;
	[tilespmem:$0x12A00] =	vst v63  }
0x2fe: {  	_ =	swait.ge [sflag:s25], $0x8000  }
0x2ff: {  	[sflag:s25] =	ssyncset.done $0x0  }
0x300: {  	s26 =	sadd.s32 $0x1, s26;
	[sflag:s25] =	ssyncadd.s32 $0xFFFF8000  }
0x301: {  	[hbm4b:s16+s2] =	stream.linear.scatter [tilespmem:s24], [sflag:$0x2], $0x8000, $0x38;
	[tilespmem:$0x12A00] =	vst v63  }
0x302: {  	p0 =	sne.s32 s26, s18;
	_ =	swait.ge [sflag:s4], $0x8000  }
.Ltmp8:
0x303: {  	[sflag:s4] =	ssyncset.done $0x0;
	(pc) =	sbr.rel @p0 .LBB2_2-.Ltmp8, $4  }
0x304: {  	[sflag:s4] =	ssyncadd.s32 $0xFFFF8000  }
0x305: {  	_ =	swait.ge [sflag:s25], $0x8000  }
0x306: {  	[sflag:s25] =	ssyncset.done $0x0  }
0x307: {  	[sflag:s25] =	ssyncadd.s32 $0xFFFF8000  }
.LBB2_15:
0x308: {  	_ =	sfence.sel $0x180000  }
0x309: {  	[bflag:$0x0] =	sbarrier.arrive $0xFFFF  }
0x30a: {  	_ =	strace $0x90000047  }
0x30b: {  	s0 =	stileid.u32;
	[bflag:$0x2] =	sbarrier.arrive $0xFFFF  }
0x30c: {  	p0 =	sne.s32 s0, $0x0;
	s0 =	rddreg [dreg:$0x2]  }
0x30d: {  	s0 =	sadd.s32 @!p0 $0x100000, s0  }
0x30e: {  	[sflag:s0] =	ssyncadd.tile.s32 @!p0 $0x1;
	_ =	shalt  }
.Lfunc_end2:
_tile_overlayer_lowered:
.L_overlay_start_2:
0x30f: {  	(tag) =	ssettag $0x2  }
0x310: {  	s0 =	rddreg [dreg:$0x0];
	s2 =	stileid.u32  }
0x311: {  	s1 =	rddreg [dreg:$0x1];
	p0 =	sne.s32 s2, $0x0  }
0x312: {  	s3 =	rddreg [dreg:$0x2];
	[bflag:$0x3] =	sbarrier.arrive $0xFFFF;
	s2 =	simm.s32 @!p0 $0x1C03  }
0x313: {  	[timem:s3], [sflag:s2] =	dma.local @!p0 [hbm:s0], s1  }
0x314: {  	s0 =	simm.s32 @!p0 $0x3  }
0x315: {  	_ =	swait.ge @!p0 [sflag:s0], s1  }
0x316: {  	s1 =	ssub.s32 @!p0 $0x0, s1;
	[sflag:s0] =	ssyncset.done @!p0 $0x0  }
0x317: {  	[sflag:s0] =	ssyncadd.s32 @!p0 s1  }
0x318: {  	[bflag:$0x3] =	sbarrier.arrive $0xFFFF  }
0x319: {  	_ =	shalt  }

</sc_bundles>
